<compile_context>
chip_gen: v7x
topology: tpu7x:2x2x1
jax: 0.10.2.dev20260603
libtpu: 0.0.44.dev20260713+nightly
codegen_flags: <defaults>
</compile_context>

<pallas_src>
import functools

import jax
import jax.numpy as jnp
from jax import lax
from jax.experimental import pallas as pl
from jax.experimental.pallas import tpu as pltpu
from jax.experimental.pallas import tpu_sc as plsc

N = 10000
E = 320000
D = 128
G = 64
O = 16

NC = 2
NS = 16
CH = 128

CPT = 80
E_PAD = NC * NS * CPT * CH
NP = 10240
ROWS_IO = NP // NS
ZCH = NP // NS

_MESH = plsc.VectorSubcoreMesh(core_axis_name="c", subcore_axis_name="s")



@functools.partial(
    pl.kernel,
    out_type=jax.ShapeDtypeStruct((NC * NP,), jnp.float32),
    mesh=_MESH,
    scratch_types=[
        pltpu.VMEM((CPT, CH), jnp.int32),
        pltpu.VMEM((CH,), jnp.float32),
        pltpu.VMEM((ZCH,), jnp.float32),
        pltpu.VMEM_SHARED((NP,), jnp.float32),
        pltpu.SemaphoreType.DMA,
    ],
)
def _sc_degree(dst_hbm, out_hbm, dst_v, ones_v, zeros_v, deg_sh, sem):
    c = lax.axis_index("c")
    s = lax.axis_index("s")
    wid = c * NS + s

    for k in range(CH // 16):
        ones_v[pl.ds(k * 16, 16)] = jnp.ones((16,), jnp.float32)

    def zbody(k, _):
        zeros_v[pl.ds(k * 16, 16)] = jnp.zeros((16,), jnp.float32)
        return ()

    lax.fori_loop(0, ZCH // 16, zbody, ())
    pltpu.sync_copy(zeros_v, deg_sh.at[pl.ds(s * ZCH, ZCH)])
    pltpu.sync_copy(dst_hbm.at[pl.ds(wid * CPT, CPT)], dst_v)
    plsc.subcore_barrier()

    def body(i, _):
        pltpu.async_copy(ones_v, deg_sh.at[dst_v.at[i]], sem, add=True)
        return ()

    lax.fori_loop(0, CPT, body, ())

    def drain(i, _):
        pltpu.make_async_copy(ones_v, deg_sh.at[pl.ds(0, CH)], sem).wait()
        return ()

    lax.fori_loop(0, CPT, drain, ())
    plsc.subcore_barrier()
    pltpu.sync_copy(deg_sh.at[pl.ds(s * ZCH, ZCH)],
                    out_hbm.at[pl.ds(c * NP + s * ZCH, ZCH)])


NBUF = 4
CH2 = 64
CPT2 = E_PAD // (NC * NS * CH2)
BLK2 = 32
NQ = BLK2 // NBUF


@functools.partial(
    pl.kernel,
    out_type=jax.ShapeDtypeStruct((NC, NP, D), jnp.float32),
    mesh=_MESH,
    scratch_types=[
        pltpu.VMEM((BLK2, CH2), jnp.int32),
        pltpu.VMEM((BLK2, CH2), jnp.int32),
        [pltpu.VMEM((CH2, D), jnp.float32) for _ in range(NBUF)],
        pltpu.VMEM_SHARED((NP, D), jnp.float32),
        [pltpu.SemaphoreType.DMA for _ in range(NBUF)],
        [pltpu.SemaphoreType.DMA for _ in range(NBUF)],
        pltpu.SemaphoreType.DMA,
    ],
)
def _sc_aggregate(g_hbm, src_hbm, dst_hbm, out_hbm,
                  src_v, dst_v, rows, acc_sh, sem_g, sem_s, sem_i):
    c = lax.axis_index("c")
    s = lax.axis_index("s")
    wid = c * NS + s

    init = pltpu.async_copy(g_hbm.at[pl.ds(s * ROWS_IO, ROWS_IO)],
                            acc_sh.at[pl.ds(s * ROWS_IO, ROWS_IO)], sem_i)
    pltpu.sync_copy(src_hbm.at[pl.ds(wid * CPT2, BLK2)], src_v)
    pltpu.sync_copy(dst_hbm.at[pl.ds(wid * CPT2, BLK2)], dst_v)
    for b in range(NBUF):
        pltpu.async_copy(g_hbm.at[src_v.at[b]], rows[b], sem_g[b])
    init.wait()
    plsc.subcore_barrier()

    def blk(blki, _):
        row0 = wid * CPT2 + blki * BLK2

        @pl.when(blki > 0)
        def _():
            pltpu.sync_copy(src_hbm.at[pl.ds(row0, BLK2)], src_v)
            pltpu.sync_copy(dst_hbm.at[pl.ds(row0, BLK2)], dst_v)

        def quad(qi, _):
            not_first = jnp.logical_or(blki > 0, qi > 0)
            gds = []
            for b in range(NBUF):
                @pl.when(not_first)
                def _():
                    pltpu.make_async_copy(rows[b], acc_sh.at[pl.ds(0, CH2)],
                                          sem_s[b]).wait()
                    pltpu.async_copy(g_hbm.at[src_v.at[qi * NBUF + b]],
                                     rows[b], sem_g[b])
                gds.append(pltpu.make_async_copy(
                    g_hbm.at[src_v.at[qi * NBUF + b]], rows[b], sem_g[b]))
            for b in range(NBUF):
                gds[b].wait()
                pltpu.async_copy(rows[b], acc_sh.at[dst_v.at[qi * NBUF + b]],
                                 sem_s[b], add=True)
            return ()

        lax.fori_loop(0, NQ, quad, ())
        return ()

    lax.fori_loop(0, CPT2 // BLK2, blk, ())
    for b in range(NBUF):
        pltpu.make_async_copy(rows[b], acc_sh.at[pl.ds(0, CH2)],
                              sem_s[b]).wait()
    plsc.subcore_barrier()
    pltpu.sync_copy(acc_sh.at[pl.ds(s * ROWS_IO, ROWS_IO)],
                    out_hbm.at[c, pl.ds(s * ROWS_IO, ROWS_IO)])



BN = 10000
NBLK = N // BN


def _tc_prep_body(deg_ref, x_ref, w_ref, g_ref, dinv_ref):
    deg = deg_ref[0] + deg_ref[1] + 1.0
    dinv = lax.rsqrt(deg)
    g_ref[...] = jnp.dot(x_ref[...], w_ref[...],
                         preferred_element_type=jnp.float32) * dinv
    dinv_ref[...] = dinv


def _tc_prep(deg2, x, w1):
    return pl.pallas_call(
        _tc_prep_body,
        grid=(NBLK,),
        in_specs=[
            pl.BlockSpec((2, BN, 1), lambda i: (0, i, 0)),
            pl.BlockSpec((BN, D), lambda i: (i, 0)),
            pl.BlockSpec((D, D), lambda i: (0, 0)),
        ],
        out_specs=[
            pl.BlockSpec((BN, D), lambda i: (i, 0)),
            pl.BlockSpec((BN, 1), lambda i: (i, 0)),
        ],
        out_shape=[jax.ShapeDtypeStruct((NP, D), jnp.float32),
                   jax.ShapeDtypeStruct((N, 1), jnp.float32)],
    )(deg2, x, w1)


def _tc_mid_body(s_ref, g1_ref, dinv_ref, b1_ref, w2_ref, g2_ref):
    dinv = dinv_ref[...]
    pre = (s_ref[0] + s_ref[1] - g1_ref[...]) * dinv + b1_ref[...]
    h = jnp.tanh(pre)
    g2_ref[...] = jnp.dot(h, w2_ref[...],
                          preferred_element_type=jnp.float32) * dinv


def _tc_mid(s, g1, dinv, b1, w2):
    return pl.pallas_call(
        _tc_mid_body,
        grid=(NBLK,),
        in_specs=[
            pl.BlockSpec((2, BN, D), lambda i: (0, i, 0)),
            pl.BlockSpec((BN, D), lambda i: (i, 0)),
            pl.BlockSpec((BN, 1), lambda i: (i, 0)),
            pl.BlockSpec((1, D), lambda i: (0, 0)),
            pl.BlockSpec((D, D), lambda i: (0, 0)),
        ],
        out_specs=pl.BlockSpec((BN, D), lambda i: (i, 0)),
        out_shape=jax.ShapeDtypeStruct((NP, D), jnp.float32),
    )(s, g1, dinv, b1, w2)


def _tc_final_body(t_ref, g2_ref, dinv_ref, b2_ref, batch_ref, wfc_ref,
                   bfc_ref, out_ref, sums_ref, cnt_ref):
    i = pl.program_id(0)
    pre = (t_ref[0] + t_ref[1] - g2_ref[...]) * dinv_ref[...] + b2_ref[...]
    h = jnp.tanh(pre)
    ids = lax.broadcasted_iota(jnp.int32, (BN, G), 1)
    ind = (ids == batch_ref[...]).astype(jnp.float32)

    @pl.when(i == 0)
    def _():
        sums_ref[...] = jnp.zeros_like(sums_ref)
        cnt_ref[...] = jnp.zeros_like(cnt_ref)

    dnums = (((0,), (0,)), ((), ()))
    sums_ref[...] += lax.dot_general(ind, h, dnums,
                                     preferred_element_type=jnp.float32)
    cnt_ref[...] += lax.dot_general(ind, jnp.ones((BN, 1), jnp.float32),
                                    dnums, preferred_element_type=jnp.float32)

    @pl.when(i == NBLK - 1)
    def _():
        pooled = sums_ref[...] / jnp.maximum(cnt_ref[...], 1.0)
        out_ref[...] = jnp.dot(pooled, wfc_ref[...],
                               preferred_element_type=jnp.float32) + bfc_ref[...]


def _tc_final(t, g2, dinv, b2, batch2d, wfc, bfc):
    return pl.pallas_call(
        _tc_final_body,
        grid=(NBLK,),
        in_specs=[
            pl.BlockSpec((2, BN, D), lambda i: (0, i, 0)),
            pl.BlockSpec((BN, D), lambda i: (i, 0)),
            pl.BlockSpec((BN, 1), lambda i: (i, 0)),
            pl.BlockSpec((1, D), lambda i: (0, 0)),
            pl.BlockSpec((BN, 1), lambda i: (i, 0)),
            pl.BlockSpec((D, O), lambda i: (0, 0)),
            pl.BlockSpec((1, O), lambda i: (0, 0)),
        ],
        out_specs=pl.BlockSpec((G, O), lambda i: (0, 0)),
        out_shape=jax.ShapeDtypeStruct((G, O), jnp.float32),
        scratch_shapes=[pltpu.VMEM((G, D), jnp.float32),
                        pltpu.VMEM((G, 1), jnp.float32)],
    )(t, g2, dinv, b2, batch2d, wfc, bfc)



def kernel(x, edge_index, batch, W1, b1, W2, b2, Wfc, bfc):
    src = edge_index[0]
    dst = edge_index[1]
    pad = E_PAD - E
    pad_idx = jnp.arange(pad, dtype=jnp.int32)
    src_p = jnp.concatenate([src, pad_idx % N])
    dst_p = jnp.concatenate([dst, N + pad_idx % (NP - N)])
    src_a = src_p.reshape(E_PAD // CH2, CH2)
    dst_a = dst_p.reshape(E_PAD // CH2, CH2)

    deg2 = _sc_degree(dst_p.reshape(E_PAD // CH, CH))
    deg2 = deg2.reshape(NC, NP)[:, :N, None]
    g1, dinv = _tc_prep(deg2, x, W1)
    s = _sc_aggregate(g1, src_a, dst_a)
    g2 = _tc_mid(s, g1, dinv, b1.reshape(1, D), W2)
    t = _sc_aggregate(g2, src_a, dst_a)
    out = _tc_final(t, g2, dinv, b2.reshape(1, D), batch.reshape(N, 1),
                    Wfc, bfc.reshape(1, O))
    return out

# --- scband reference (transcript-rebuilt; emitter-appended) ---
"""Pipeline reference for scband-gcn2-layer-mean-pool-26560077758926 (READ-ONLY COPY).

The authoritative reference and input builder live on the scoring server;
editing this copy changes nothing except your own understanding.
"""

import jax, jax.numpy as jnp
import numpy as np

N = 10000
E = 320000
D = 128
H1 = 128
H2 = 128
O = 16
G = 64


def gcn_conv(x, edge_index, W, b, num_nodes):
    # PyG GCNConv: linear transform, add self-loops, symmetric normalization, scatter-add aggregate
    src = edge_index[0]
    dst = edge_index[1]
    loop = jnp.arange(num_nodes, dtype=src.dtype)
    src = jnp.concatenate([src, loop])
    dst = jnp.concatenate([dst, loop])
    deg = jnp.zeros((num_nodes,), dtype=x.dtype).at[dst].add(1.0)
    dinv = jnp.where(deg > 0, deg ** -0.5, 0.0)
    norm = dinv[src] * dinv[dst]
    h = x @ W
    msg = h[src] * norm[:, None]
    out = jnp.zeros((num_nodes, W.shape[1]), dtype=x.dtype).at[dst].add(msg)
    return out + b


def setup_inputs(seed: int = 0) -> dict:
    key = jax.random.key(seed)
    ks = jax.random.split(key, 10)
    x = jax.random.normal(ks[0], (N, D), dtype=jnp.float32)
    edge_index = jax.random.randint(ks[1], (2, E), 0, N, dtype=jnp.int32)
    batch = jnp.sort(jax.random.randint(ks[2], (N,), 0, G, dtype=jnp.int32))
    W1 = jax.random.normal(ks[3], (D, H1), dtype=jnp.float32) * 0.05
    b1 = jnp.zeros((H1,), dtype=jnp.float32)
    W2 = jax.random.normal(ks[4], (H1, H2), dtype=jnp.float32) * 0.05
    b2 = jnp.zeros((H2,), dtype=jnp.float32)
    Wfc = jax.random.normal(ks[5], (H2, O), dtype=jnp.float32) * 0.05
    bfc = jnp.zeros((O,), dtype=jnp.float32)
    return {"x": x, "edge_index": edge_index, "batch": batch, "W1": W1, "b1": b1, "W2": W2, "b2": b2, "Wfc": Wfc, "bfc": bfc}


def reference(x, edge_index, batch, W1, b1, W2, b2, Wfc, bfc):
    h = gcn_conv(x, edge_index, W1, b1, N)
    h = jnp.tanh(h)
    # dropout_rate=0 -> identity
    h = gcn_conv(h, edge_index, W2, b2, N)
    h = jnp.tanh(h)
    # global mean pool over graphs
    sums = jax.ops.segment_sum(h, batch, num_segments=G)
    cnt = jax.ops.segment_sum(jnp.ones((N, 1), dtype=h.dtype), batch, num_segments=G)
    pooled = sums / jnp.maximum(cnt, 1.0)
    out = pooled @ Wfc + bfc
    return out

if __name__ == "__main__":
    import jax
    _d = setup_inputs()
    print(jax.jit(kernel)(*tuple(_d.values())))

</pallas_src>

<mosaic_0001>
#map = affine_map<(d0, d1) -> (0, 0)>
#map1 = affine_map<(d0, d1) -> (0, 0, 0)>
module attributes {stable_mosaic.version = 14 : i64} {
  func.func @_sc_aggregate(%arg0: i32, %arg1: i32, %arg2: memref<10240x128xf32, #tpu.memory_space<hbm>>, %arg3: memref<5120x64xi32, #tpu.memory_space<hbm>>, %arg4: memref<5120x64xi32, #tpu.memory_space<hbm>>, %arg5: memref<2x10240x128xf32, #tpu.memory_space<hbm>>, %arg6: memref<32x64xi32, #tpu.memory_space<vmem>>, %arg7: memref<32x64xi32, #tpu.memory_space<vmem>>, %arg8: memref<64x128xf32, #tpu.memory_space<vmem>>, %arg9: memref<64x128xf32, #tpu.memory_space<vmem>>, %arg10: memref<64x128xf32, #tpu.memory_space<vmem>>, %arg11: memref<64x128xf32, #tpu.memory_space<vmem>>, %arg12: memref<10240x128xf32, #tpu.memory_space<vmem_shared>>, %arg13: memref<!tpu.dma_semaphore, #tpu.memory_space<semaphore_mem>>, %arg14: memref<!tpu.dma_semaphore, #tpu.memory_space<semaphore_mem>>, %arg15: memref<!tpu.dma_semaphore, #tpu.memory_space<semaphore_mem>>, %arg16: memref<!tpu.dma_semaphore, #tpu.memory_space<semaphore_mem>>, %arg17: memref<!tpu.dma_semaphore, #tpu.memory_space<semaphore_mem>>, %arg18: memref<!tpu.dma_semaphore, #tpu.memory_space<semaphore_mem>>, %arg19: memref<!tpu.dma_semaphore, #tpu.memory_space<semaphore_mem>>, %arg20: memref<!tpu.dma_semaphore, #tpu.memory_space<semaphore_mem>>, %arg21: memref<!tpu.dma_semaphore, #tpu.memory_space<semaphore_mem>>) attributes {dimension_semantics = [#tpu.dimension_semantics<core_parallel>, #tpu.dimension_semantics<subcore_parallel>], iteration_bounds = array<i64: 2, 16>, scalar_prefetch = 0 : i64, scratch_operands = 16 : i64, tpu.core_type = #tpu.core_type<sc_vector_subcore>, window_params = [{transform_indices = #map}, {transform_indices = #map}, {transform_indices = #map}, {transform_indices = #map1}]} {
    %mul3A = arith.constant 16 : i32
    %mul3A_0 = arith.muli %arg0, %mul3A : i32
    %add3A = arith.addi %mul3A_0, %arg1 : i32
    %mul3A_1 = arith.constant 640 : i32
    %mul3A_2 = arith.muli %arg1, %mul3A_1 : i32
    %mul3A_3 = arith.constant 640 : i32
    %mul3A_4 = arith.muli %arg1, %mul3A_3 : i32
    %dma_start3A = arith.constant 0 : i32
    %dma_start3A_5 = tpu.memref_slice %arg12[%mul3A_4, %dma_start3A] : memref<10240x128xf32, #tpu.memory_space<vmem_shared>> -> memref<640x128xf32, #tpu.memory_space<vmem_shared>>
    %dma_start3A_6 = arith.constant 0 : i32
    %dma_start3A_7 = tpu.memref_slice %arg2[%mul3A_2, %dma_start3A_6] : memref<10240x128xf32, #tpu.memory_space<hbm>> -> memref<640x128xf32, #tpu.memory_space<hbm>>
    tpu.enqueue_dma source(%dma_start3A_7 : memref<640x128xf32, #tpu.memory_space<hbm>>) target(%dma_start3A_5 : memref<640x128xf32, #tpu.memory_space<vmem_shared>>) target_semaphore(%arg21 : memref<!tpu.dma_semaphore, #tpu.memory_space<semaphore_mem>>)
    %mul3A_8 = arith.constant 160 : i32
    %mul3A_9 = arith.muli %add3A, %mul3A_8 : i32
    "tpu.region"() ({
      %run_scoped3A = tpu.sem_alloc : memref<!tpu.dma_semaphore, #tpu.memory_space<semaphore_mem>>
      %dma_start3A_76 = arith.constant 0 : i32
      %dma_start3A_77 = tpu.memref_slice %arg3[%mul3A_9, %dma_start3A_76] : memref<5120x64xi32, #tpu.memory_space<hbm>> -> memref<32x64xi32, #tpu.memory_space<hbm>>
      %dma_start3A_78 = arith.constant 0 : i32
      %dma_start3A_79 = tpu.memref_slice %arg3[%mul3A_9, %dma_start3A_78] : memref<5120x64xi32, #tpu.memory_space<hbm>> -> memref<32x64xi32, #tpu.memory_space<hbm>>
      tpu.enqueue_dma source(%dma_start3A_79 : memref<32x64xi32, #tpu.memory_space<hbm>>) target(%arg6 : memref<32x64xi32, #tpu.memory_space<vmem>>) target_semaphore(%run_scoped3A : memref<!tpu.dma_semaphore, #tpu.memory_space<semaphore_mem>>)
      %dma_wait3A_80 = arith.constant 0 : i32
      %dma_wait3A_81 = tpu.memref_slice %arg3[%mul3A_9, %dma_wait3A_80] : memref<5120x64xi32, #tpu.memory_space<hbm>> -> memref<32x64xi32, #tpu.memory_space<hbm>>
      %dma_wait3A_82 = arith.constant 0 : i32
      %dma_wait3A_83 = tpu.memref_slice %arg3[%mul3A_9, %dma_wait3A_82] : memref<5120x64xi32, #tpu.memory_space<hbm>> -> memref<32x64xi32, #tpu.memory_space<hbm>>
      tpu.wait_dma2 semaphore(%run_scoped3A : memref<!tpu.dma_semaphore, #tpu.memory_space<semaphore_mem>>) src(%dma_wait3A_83 : memref<32x64xi32, #tpu.memory_space<hbm>>) dst(%arg6 : memref<32x64xi32, #tpu.memory_space<vmem>>)
      tpu.yield
    }) : () -> ()
    %mul3A_10 = arith.constant 160 : i32
    %mul3A_11 = arith.muli %add3A, %mul3A_10 : i32
    "tpu.region"() ({
      %run_scoped3A = tpu.sem_alloc : memref<!tpu.dma_semaphore, #tpu.memory_space<semaphore_mem>>
      %dma_start3A_76 = arith.constant 0 : i32
      %dma_start3A_77 = tpu.memref_slice %arg4[%mul3A_11, %dma_start3A_76] : memref<5120x64xi32, #tpu.memory_space<hbm>> -> memref<32x64xi32, #tpu.memory_space<hbm>>
      %dma_start3A_78 = arith.constant 0 : i32
      %dma_start3A_79 = tpu.memref_slice %arg4[%mul3A_11, %dma_start3A_78] : memref<5120x64xi32, #tpu.memory_space<hbm>> -> memref<32x64xi32, #tpu.memory_space<hbm>>
      tpu.enqueue_dma source(%dma_start3A_79 : memref<32x64xi32, #tpu.memory_space<hbm>>) target(%arg7 : memref<32x64xi32, #tpu.memory_space<vmem>>) target_semaphore(%run_scoped3A : memref<!tpu.dma_semaphore, #tpu.memory_space<semaphore_mem>>)
      %dma_wait3A_80 = arith.constant 0 : i32
      %dma_wait3A_81 = tpu.memref_slice %arg4[%mul3A_11, %dma_wait3A_80] : memref<5120x64xi32, #tpu.memory_space<hbm>> -> memref<32x64xi32, #tpu.memory_space<hbm>>
      %dma_wait3A_82 = arith.constant 0 : i32
      %dma_wait3A_83 = tpu.memref_slice %arg4[%mul3A_11, %dma_wait3A_82] : memref<5120x64xi32, #tpu.memory_space<hbm>> -> memref<32x64xi32, #tpu.memory_space<hbm>>
      tpu.wait_dma2 semaphore(%run_scoped3A : memref<!tpu.dma_semaphore, #tpu.memory_space<semaphore_mem>>) src(%dma_wait3A_83 : memref<32x64xi32, #tpu.memory_space<hbm>>) dst(%arg7 : memref<32x64xi32, #tpu.memory_space<vmem>>)
      tpu.yield
    }) : () -> ()
    %dma_start3A_12 = arith.constant 0 : i32
    %dma_start3A_13 = arith.constant 0 : i32
    %dma_start3A_14 = tpu.memref_slice %arg6[%dma_start3A_12, %dma_start3A_13] : memref<32x64xi32, #tpu.memory_space<vmem>> -> memref<1x64xi32, #tpu.memory_space<vmem>>
    %dma_start3A_15 = tpu.memref_squeeze %dma_start3A_14 : memref<1x64xi32, #tpu.memory_space<vmem>> -> memref<64xi32, #tpu.memory_space<vmem>>
    %dma_start3A_16 = arith.constant 0 : i32
    %dma_start3A_17 = arith.constant 0 : i32
    %dma_start3A_18 = tpu.memref_slice %arg2[%dma_start3A_16, %dma_start3A_17] : memref<10240x128xf32, #tpu.memory_space<hbm>> -> memref<10240x128xf32, #tpu.memory_space<hbm>>
    tpu.enqueue_indirect_dma source(%dma_start3A_18 : memref<10240x128xf32, #tpu.memory_space<hbm>>) target(%arg8 : memref<64x128xf32, #tpu.memory_space<vmem>>) offsets(%dma_start3A_15 : memref<64xi32, #tpu.memory_space<vmem>>) semaphore(%arg13 : memref<!tpu.dma_semaphore, #tpu.memory_space<semaphore_mem>>)
    %dma_start3A_19 = arith.constant 1 : i32
    %dma_start3A_20 = arith.constant 0 : i32
    %dma_start3A_21 = tpu.memref_slice %arg6[%dma_start3A_19, %dma_start3A_20] : memref<32x64xi32, #tpu.memory_space<vmem>> -> memref<1x64xi32, #tpu.memory_space<vmem>>
    %dma_start3A_22 = tpu.memref_squeeze %dma_start3A_21 : memref<1x64xi32, #tpu.memory_space<vmem>> -> memref<64xi32, #tpu.memory_space<vmem>>
    %dma_start3A_23 = arith.constant 0 : i32
    %dma_start3A_24 = arith.constant 0 : i32
    %dma_start3A_25 = tpu.memref_slice %arg2[%dma_start3A_23, %dma_start3A_24] : memref<10240x128xf32, #tpu.memory_space<hbm>> -> memref<10240x128xf32, #tpu.memory_space<hbm>>
    tpu.enqueue_indirect_dma source(%dma_start3A_25 : memref<10240x128xf32, #tpu.memory_space<hbm>>) target(%arg9 : memref<64x128xf32, #tpu.memory_space<vmem>>) offsets(%dma_start3A_22 : memref<64xi32, #tpu.memory_space<vmem>>) semaphore(%arg14 : memref<!tpu.dma_semaphore, #tpu.memory_space<semaphore_mem>>)
    %dma_start3A_26 = arith.constant 2 : i32
    %dma_start3A_27 = arith.constant 0 : i32
    %dma_start3A_28 = tpu.memref_slice %arg6[%dma_start3A_26, %dma_start3A_27] : memref<32x64xi32, #tpu.memory_space<vmem>> -> memref<1x64xi32, #tpu.memory_space<vmem>>
    %dma_start3A_29 = tpu.memref_squeeze %dma_start3A_28 : memref<1x64xi32, #tpu.memory_space<vmem>> -> memref<64xi32, #tpu.memory_space<vmem>>
    %dma_start3A_30 = arith.constant 0 : i32
    %dma_start3A_31 = arith.constant 0 : i32
    %dma_start3A_32 = tpu.memref_slice %arg2[%dma_start3A_30, %dma_start3A_31] : memref<10240x128xf32, #tpu.memory_space<hbm>> -> memref<10240x128xf32, #tpu.memory_space<hbm>>
    tpu.enqueue_indirect_dma source(%dma_start3A_32 : memref<10240x128xf32, #tpu.memory_space<hbm>>) target(%arg10 : memref<64x128xf32, #tpu.memory_space<vmem>>) offsets(%dma_start3A_29 : memref<64xi32, #tpu.memory_space<vmem>>) semaphore(%arg15 : memref<!tpu.dma_semaphore, #tpu.memory_space<semaphore_mem>>)
    %dma_start3A_33 = arith.constant 3 : i32
    %dma_start3A_34 = arith.constant 0 : i32
    %dma_start3A_35 = tpu.memref_slice %arg6[%dma_start3A_33, %dma_start3A_34] : memref<32x64xi32, #tpu.memory_space<vmem>> -> memref<1x64xi32, #tpu.memory_space<vmem>>
    %dma_start3A_36 = tpu.memref_squeeze %dma_start3A_35 : memref<1x64xi32, #tpu.memory_space<vmem>> -> memref<64xi32, #tpu.memory_space<vmem>>
    %dma_start3A_37 = arith.constant 0 : i32
    %dma_start3A_38 = arith.constant 0 : i32
    %dma_start3A_39 = tpu.memref_slice %arg2[%dma_start3A_37, %dma_start3A_38] : memref<10240x128xf32, #tpu.memory_space<hbm>> -> memref<10240x128xf32, #tpu.memory_space<hbm>>
    tpu.enqueue_indirect_dma source(%dma_start3A_39 : memref<10240x128xf32, #tpu.memory_space<hbm>>) target(%arg11 : memref<64x128xf32, #tpu.memory_space<vmem>>) offsets(%dma_start3A_36 : memref<64xi32, #tpu.memory_space<vmem>>) semaphore(%arg16 : memref<!tpu.dma_semaphore, #tpu.memory_space<semaphore_mem>>)
    %dma_wait3A = arith.constant 0 : i32
    %dma_wait3A_40 = tpu.memref_slice %arg12[%mul3A_4, %dma_wait3A] : memref<10240x128xf32, #tpu.memory_space<vmem_shared>> -> memref<640x128xf32, #tpu.memory_space<vmem_shared>>
    %dma_wait3A_41 = arith.constant 0 : i32
    %dma_wait3A_42 = tpu.memref_slice %arg2[%mul3A_2, %dma_wait3A_41] : memref<10240x128xf32, #tpu.memory_space<hbm>> -> memref<640x128xf32, #tpu.memory_space<hbm>>
    tpu.wait_dma2 semaphore(%arg21 : memref<!tpu.dma_semaphore, #tpu.memory_space<semaphore_mem>>) src(%dma_wait3A_42 : memref<640x128xf32, #tpu.memory_space<hbm>>) dst(%dma_wait3A_40 : memref<640x128xf32, #tpu.memory_space<vmem_shared>>)
    %barrier3A = arith.constant 0 : index
    tpu.barrier barrier_id(%barrier3A)
    %scan3A = arith.constant 0 : i32
    %scan3A_43 = arith.constant 5 : i32
    %scan3A_44 = arith.addi %scan3A, %scan3A_43 : i32
    %scan3A_45 = arith.constant 1 : i32
    scf.for %scan3A_76 = %scan3A to %scan3A_44 step %scan3A_45  : i32 {
      %mul3A_77 = arith.constant 160 : i32
      %mul3A_78 = arith.muli %add3A, %mul3A_77 : i32
      %mul3A_79 = arith.constant 32 : i32
      %mul3A_80 = arith.muli %scan3A_76, %mul3A_79 : i32
      %add3A_81 = arith.addi %mul3A_78, %mul3A_80 : i32
      %gt3A = arith.constant 0 : i32
      %gt3A_82 = arith.cmpi sgt, %scan3A_76, %gt3A : i32
      %convert_element_type3A = arith.extui %gt3A_82 : i1 to i32
      %cond3A = arith.constant 0 : i32
      %cond3A_83 = arith.cmpi ne, %convert_element_type3A, %cond3A : i32
      scf.if %cond3A_83 {
        "tpu.region"() ({
          %run_scoped3A = tpu.sem_alloc : memref<!tpu.dma_semaphore, #tpu.memory_space<semaphore_mem>>
          %dma_start3A_89 = arith.constant 0 : i32
          %dma_start3A_90 = tpu.memref_slice %arg3[%add3A_81, %dma_start3A_89] : memref<5120x64xi32, #tpu.memory_space<hbm>> -> memref<32x64xi32, #tpu.memory_space<hbm>>
          %dma_start3A_91 = arith.constant 0 : i32
          %dma_start3A_92 = tpu.memref_slice %arg3[%add3A_81, %dma_start3A_91] : memref<5120x64xi32, #tpu.memory_space<hbm>> -> memref<32x64xi32, #tpu.memory_space<hbm>>
          tpu.enqueue_dma source(%dma_start3A_92 : memref<32x64xi32, #tpu.memory_space<hbm>>) target(%arg6 : memref<32x64xi32, #tpu.memory_space<vmem>>) target_semaphore(%run_scoped3A : memref<!tpu.dma_semaphore, #tpu.memory_space<semaphore_mem>>)
          %dma_wait3A_93 = arith.constant 0 : i32
          %dma_wait3A_94 = tpu.memref_slice %arg3[%add3A_81, %dma_wait3A_93] : memref<5120x64xi32, #tpu.memory_space<hbm>> -> memref<32x64xi32, #tpu.memory_space<hbm>>
          %dma_wait3A_95 = arith.constant 0 : i32
          %dma_wait3A_96 = tpu.memref_slice %arg3[%add3A_81, %dma_wait3A_95] : memref<5120x64xi32, #tpu.memory_space<hbm>> -> memref<32x64xi32, #tpu.memory_space<hbm>>
          tpu.wait_dma2 semaphore(%run_scoped3A : memref<!tpu.dma_semaphore, #tpu.memory_space<semaphore_mem>>) src(%dma_wait3A_96 : memref<32x64xi32, #tpu.memory_space<hbm>>) dst(%arg6 : memref<32x64xi32, #tpu.memory_space<vmem>>)
          tpu.yield
        }) : () -> ()
        "tpu.region"() ({
          %run_scoped3A = tpu.sem_alloc : memref<!tpu.dma_semaphore, #tpu.memory_space<semaphore_mem>>
          %dma_start3A_89 = arith.constant 0 : i32
          %dma_start3A_90 = tpu.memref_slice %arg4[%add3A_81, %dma_start3A_89] : memref<5120x64xi32, #tpu.memory_space<hbm>> -> memref<32x64xi32, #tpu.memory_space<hbm>>
          %dma_start3A_91 = arith.constant 0 : i32
          %dma_start3A_92 = tpu.memref_slice %arg4[%add3A_81, %dma_start3A_91] : memref<5120x64xi32, #tpu.memory_space<hbm>> -> memref<32x64xi32, #tpu.memory_space<hbm>>
          tpu.enqueue_dma source(%dma_start3A_92 : memref<32x64xi32, #tpu.memory_space<hbm>>) target(%arg7 : memref<32x64xi32, #tpu.memory_space<vmem>>) target_semaphore(%run_scoped3A : memref<!tpu.dma_semaphore, #tpu.memory_space<semaphore_mem>>)
          %dma_wait3A_93 = arith.constant 0 : i32
          %dma_wait3A_94 = tpu.memref_slice %arg4[%add3A_81, %dma_wait3A_93] : memref<5120x64xi32, #tpu.memory_space<hbm>> -> memref<32x64xi32, #tpu.memory_space<hbm>>
          %dma_wait3A_95 = arith.constant 0 : i32
          %dma_wait3A_96 = tpu.memref_slice %arg4[%add3A_81, %dma_wait3A_95] : memref<5120x64xi32, #tpu.memory_space<hbm>> -> memref<32x64xi32, #tpu.memory_space<hbm>>
          tpu.wait_dma2 semaphore(%run_scoped3A : memref<!tpu.dma_semaphore, #tpu.memory_space<semaphore_mem>>) src(%dma_wait3A_96 : memref<32x64xi32, #tpu.memory_space<hbm>>) dst(%arg7 : memref<32x64xi32, #tpu.memory_space<vmem>>)
          tpu.yield
        }) : () -> ()
      } else {
      }
      %scan3A_84 = arith.constant 0 : i32
      %scan3A_85 = arith.constant 8 : i32
      %scan3A_86 = arith.addi %scan3A_84, %scan3A_85 : i32
      %scan3A_87 = arith.constant 1 : i32
      scf.for %scan3A_89 = %scan3A_84 to %scan3A_86 step %scan3A_87  : i32 {
        %gt3A_90 = arith.constant 0 : i32
        %gt3A_91 = arith.cmpi sgt, %scan3A_76, %gt3A_90 : i32
        %gt3A_92 = arith.constant 0 : i32
        %gt3A_93 = arith.cmpi sgt, %scan3A_89, %gt3A_92 : i32
        %or3A = arith.ori %gt3A_91, %gt3A_93 : i1
        %convert_element_type3A_94 = arith.extui %or3A : i1 to i32
        %cond3A_95 = arith.constant 0 : i32
        %cond3A_96 = arith.cmpi ne, %convert_element_type3A_94, %cond3A_95 : i32
        scf.if %cond3A_96 {
          %dma_wait3A_186 = arith.constant 0 : i32
          %dma_wait3A_187 = arith.constant 0 : i32
          %dma_wait3A_188 = tpu.memref_slice %arg12[%dma_wait3A_186, %dma_wait3A_187] : memref<10240x128xf32, #tpu.memory_space<vmem_shared>> -> memref<64x128xf32, #tpu.memory_space<vmem_shared>>
          %dma_wait3A_189 = arith.constant 0 : i32
          %dma_wait3A_190 = arith.constant 0 : i32
          %dma_wait3A_191 = tpu.memref_slice %arg12[%dma_wait3A_189, %dma_wait3A_190] : memref<10240x128xf32, #tpu.memory_space<vmem_shared>> -> memref<64x128xf32, #tpu.memory_space<vmem_shared>>
          tpu.wait_dma2 semaphore(%arg17 : memref<!tpu.dma_semaphore, #tpu.memory_space<semaphore_mem>>) src(%arg8 : memref<64x128xf32, #tpu.memory_space<vmem>>) dst(%dma_wait3A_191 : memref<64x128xf32, #tpu.memory_space<vmem_shared>>)
          %mul3A_192 = arith.constant 4 : i32
          %mul3A_193 = arith.muli %scan3A_89, %mul3A_192 : i32
          %add3A_194 = arith.constant 0 : i32
          %add3A_195 = arith.addi %mul3A_193, %add3A_194 : i32
          %dma_start3A_196 = arith.constant 0 : i32
          %dma_start3A_197 = tpu.memref_slice %arg6[%add3A_195, %dma_start3A_196] : memref<32x64xi32, #tpu.memory_space<vmem>> -> memref<1x64xi32, #tpu.memory_space<vmem>>
          %dma_start3A_198 = tpu.memref_squeeze %dma_start3A_197 : memref<1x64xi32, #tpu.memory_space<vmem>> -> memref<64xi32, #tpu.memory_space<vmem>>
          %dma_start3A_199 = arith.constant 0 : i32
          %dma_start3A_200 = arith.constant 0 : i32
          %dma_start3A_201 = tpu.memref_slice %arg2[%dma_start3A_199, %dma_start3A_200] : memref<10240x128xf32, #tpu.memory_space<hbm>> -> memref<10240x128xf32, #tpu.memory_space<hbm>>
          tpu.enqueue_indirect_dma source(%dma_start3A_201 : memref<10240x128xf32, #tpu.memory_space<hbm>>) target(%arg8 : memref<64x128xf32, #tpu.memory_space<vmem>>) offsets(%dma_start3A_198 : memref<64xi32, #tpu.memory_space<vmem>>) semaphore(%arg13 : memref<!tpu.dma_semaphore, #tpu.memory_space<semaphore_mem>>)
        } else {
        }
        %mul3A_97 = arith.constant 4 : i32
        %mul3A_98 = arith.muli %scan3A_89, %mul3A_97 : i32
        %add3A_99 = arith.constant 0 : i32
        %add3A_100 = arith.addi %mul3A_98, %add3A_99 : i32
        %convert_element_type3A_101 = arith.extui %or3A : i1 to i32
        %cond3A_102 = arith.constant 0 : i32
        %cond3A_103 = arith.cmpi ne, %convert_element_type3A_101, %cond3A_102 : i32
        scf.if %cond3A_103 {
          %dma_wait3A_186 = arith.constant 0 : i32
          %dma_wait3A_187 = arith.constant 0 : i32
          %dma_wait3A_188 = tpu.memref_slice %arg12[%dma_wait3A_186, %dma_wait3A_187] : memref<10240x128xf32, #tpu.memory_space<vmem_shared>> -> memref<64x128xf32, #tpu.memory_space<vmem_shared>>
          %dma_wait3A_189 = arith.constant 0 : i32
          %dma_wait3A_190 = arith.constant 0 : i32
          %dma_wait3A_191 = tpu.memref_slice %arg12[%dma_wait3A_189, %dma_wait3A_190] : memref<10240x128xf32, #tpu.memory_space<vmem_shared>> -> memref<64x128xf32, #tpu.memory_space<vmem_shared>>
          tpu.wait_dma2 semaphore(%arg18 : memref<!tpu.dma_semaphore, #tpu.memory_space<semaphore_mem>>) src(%arg9 : memref<64x128xf32, #tpu.memory_space<vmem>>) dst(%dma_wait3A_191 : memref<64x128xf32, #tpu.memory_space<vmem_shared>>)
          %mul3A_192 = arith.constant 4 : i32
          %mul3A_193 = arith.muli %scan3A_89, %mul3A_192 : i32
          %add3A_194 = arith.constant 1 : i32
          %add3A_195 = arith.addi %mul3A_193, %add3A_194 : i32
          %dma_start3A_196 = arith.constant 0 : i32
          %dma_start3A_197 = tpu.memref_slice %arg6[%add3A_195, %dma_start3A_196] : memref<32x64xi32, #tpu.memory_space<vmem>> -> memref<1x64xi32, #tpu.memory_space<vmem>>
          %dma_start3A_198 = tpu.memref_squeeze %dma_start3A_197 : memref<1x64xi32, #tpu.memory_space<vmem>> -> memref<64xi32, #tpu.memory_space<vmem>>
          %dma_start3A_199 = arith.constant 0 : i32
          %dma_start3A_200 = arith.constant 0 : i32
          %dma_start3A_201 = tpu.memref_slice %arg2[%dma_start3A_199, %dma_start3A_200] : memref<10240x128xf32, #tpu.memory_space<hbm>> -> memref<10240x128xf32, #tpu.memory_space<hbm>>
          tpu.enqueue_indirect_dma source(%dma_start3A_201 : memref<10240x128xf32, #tpu.memory_space<hbm>>) target(%arg9 : memref<64x128xf32, #tpu.memory_space<vmem>>) offsets(%dma_start3A_198 : memref<64xi32, #tpu.memory_space<vmem>>) semaphore(%arg14 : memref<!tpu.dma_semaphore, #tpu.memory_space<semaphore_mem>>)
        } else {
        }
        %mul3A_104 = arith.constant 4 : i32
        %mul3A_105 = arith.muli %scan3A_89, %mul3A_104 : i32
        %add3A_106 = arith.constant 1 : i32
        %add3A_107 = arith.addi %mul3A_105, %add3A_106 : i32
        %convert_element_type3A_108 = arith.extui %or3A : i1 to i32
        %cond3A_109 = arith.constant 0 : i32
        %cond3A_110 = arith.cmpi ne, %convert_element_type3A_108, %cond3A_109 : i32
        scf.if %cond3A_110 {
          %dma_wait3A_186 = arith.constant 0 : i32
          %dma_wait3A_187 = arith.constant 0 : i32
          %dma_wait3A_188 = tpu.memref_slice %arg12[%dma_wait3A_186, %dma_wait3A_187] : memref<10240x128xf32, #tpu.memory_space<vmem_shared>> -> memref<64x128xf32, #tpu.memory_space<vmem_shared>>
          %dma_wait3A_189 = arith.constant 0 : i32
          %dma_wait3A_190 = arith.constant 0 : i32
          %dma_wait3A_191 = tpu.memref_slice %arg12[%dma_wait3A_189, %dma_wait3A_190] : memref<10240x128xf32, #tpu.memory_space<vmem_shared>> -> memref<64x128xf32, #tpu.memory_space<vmem_shared>>
          tpu.wait_dma2 semaphore(%arg19 : memref<!tpu.dma_semaphore, #tpu.memory_space<semaphore_mem>>) src(%arg10 : memref<64x128xf32, #tpu.memory_space<vmem>>) dst(%dma_wait3A_191 : memref<64x128xf32, #tpu.memory_space<vmem_shared>>)
          %mul3A_192 = arith.constant 4 : i32
          %mul3A_193 = arith.muli %scan3A_89, %mul3A_192 : i32
          %add3A_194 = arith.constant 2 : i32
          %add3A_195 = arith.addi %mul3A_193, %add3A_194 : i32
          %dma_start3A_196 = arith.constant 0 : i32
          %dma_start3A_197 = tpu.memref_slice %arg6[%add3A_195, %dma_start3A_196] : memref<32x64xi32, #tpu.memory_space<vmem>> -> memref<1x64xi32, #tpu.memory_space<vmem>>
          %dma_start3A_198 = tpu.memref_squeeze %dma_start3A_197 : memref<1x64xi32, #tpu.memory_space<vmem>> -> memref<64xi32, #tpu.memory_space<vmem>>
          %dma_start3A_199 = arith.constant 0 : i32
          %dma_start3A_200 = arith.constant 0 : i32
          %dma_start3A_201 = tpu.memref_slice %arg2[%dma_start3A_199, %dma_start3A_200] : memref<10240x128xf32, #tpu.memory_space<hbm>> -> memref<10240x128xf32, #tpu.memory_space<hbm>>
          tpu.enqueue_indirect_dma source(%dma_start3A_201 : memref<10240x128xf32, #tpu.memory_space<hbm>>) target(%arg10 : memref<64x128xf32, #tpu.memory_space<vmem>>) offsets(%dma_start3A_198 : memref<64xi32, #tpu.memory_space<vmem>>) semaphore(%arg15 : memref<!tpu.dma_semaphore, #tpu.memory_space<semaphore_mem>>)
        } else {
        }
        %mul3A_111 = arith.constant 4 : i32
        %mul3A_112 = arith.muli %scan3A_89, %mul3A_111 : i32
        %add3A_113 = arith.constant 2 : i32
        %add3A_114 = arith.addi %mul3A_112, %add3A_113 : i32
        %convert_element_type3A_115 = arith.extui %or3A : i1 to i32
        %cond3A_116 = arith.constant 0 : i32
        %cond3A_117 = arith.cmpi ne, %convert_element_type3A_115, %cond3A_116 : i32
        scf.if %cond3A_117 {
          %dma_wait3A_186 = arith.constant 0 : i32
          %dma_wait3A_187 = arith.constant 0 : i32
          %dma_wait3A_188 = tpu.memref_slice %arg12[%dma_wait3A_186, %dma_wait3A_187] : memref<10240x128xf32, #tpu.memory_space<vmem_shared>> -> memref<64x128xf32, #tpu.memory_space<vmem_shared>>
          %dma_wait3A_189 = arith.constant 0 : i32
          %dma_wait3A_190 = arith.constant 0 : i32
          %dma_wait3A_191 = tpu.memref_slice %arg12[%dma_wait3A_189, %dma_wait3A_190] : memref<10240x128xf32, #tpu.memory_space<vmem_shared>> -> memref<64x128xf32, #tpu.memory_space<vmem_shared>>
          tpu.wait_dma2 semaphore(%arg20 : memref<!tpu.dma_semaphore, #tpu.memory_space<semaphore_mem>>) src(%arg11 : memref<64x128xf32, #tpu.memory_space<vmem>>) dst(%dma_wait3A_191 : memref<64x128xf32, #tpu.memory_space<vmem_shared>>)
          %mul3A_192 = arith.constant 4 : i32
          %mul3A_193 = arith.muli %scan3A_89, %mul3A_192 : i32
          %add3A_194 = arith.constant 3 : i32
          %add3A_195 = arith.addi %mul3A_193, %add3A_194 : i32
          %dma_start3A_196 = arith.constant 0 : i32
          %dma_start3A_197 = tpu.memref_slice %arg6[%add3A_195, %dma_start3A_196] : memref<32x64xi32, #tpu.memory_space<vmem>> -> memref<1x64xi32, #tpu.memory_space<vmem>>
          %dma_start3A_198 = tpu.memref_squeeze %dma_start3A_197 : memref<1x64xi32, #tpu.memory_space<vmem>> -> memref<64xi32, #tpu.memory_space<vmem>>
          %dma_start3A_199 = arith.constant 0 : i32
          %dma_start3A_200 = arith.constant 0 : i32
          %dma_start3A_201 = tpu.memref_slice %arg2[%dma_start3A_199, %dma_start3A_200] : memref<10240x128xf32, #tpu.memory_space<hbm>> -> memref<10240x128xf32, #tpu.memory_space<hbm>>
          tpu.enqueue_indirect_dma source(%dma_start3A_201 : memref<10240x128xf32, #tpu.memory_space<hbm>>) target(%arg11 : memref<64x128xf32, #tpu.memory_space<vmem>>) offsets(%dma_start3A_198 : memref<64xi32, #tpu.memory_space<vmem>>) semaphore(%arg16 : memref<!tpu.dma_semaphore, #tpu.memory_space<semaphore_mem>>)
        } else {
        }
        %mul3A_118 = arith.constant 4 : i32
        %mul3A_119 = arith.muli %scan3A_89, %mul3A_118 : i32
        %add3A_120 = arith.constant 3 : i32
        %add3A_121 = arith.addi %mul3A_119, %add3A_120 : i32
        %dma_wait3A_122 = arith.constant 0 : i32
        %dma_wait3A_123 = tpu.memref_slice %arg6[%add3A_100, %dma_wait3A_122] : memref<32x64xi32, #tpu.memory_space<vmem>> -> memref<1x64xi32, #tpu.memory_space<vmem>>
        %dma_wait3A_124 = tpu.memref_squeeze %dma_wait3A_123 : memref<1x64xi32, #tpu.memory_space<vmem>> -> memref<64xi32, #tpu.memory_space<vmem>>
        %dma_wait3A_125 = arith.constant 0 : i32
        %dma_wait3A_126 = arith.constant 0 : i32
        %dma_wait3A_127 = tpu.memref_slice %arg2[%dma_wait3A_125, %dma_wait3A_126] : memref<10240x128xf32, #tpu.memory_space<hbm>> -> memref<10240x128xf32, #tpu.memory_space<hbm>>
        tpu.wait_indirect_dma semaphore(%arg13 : memref<!tpu.dma_semaphore, #tpu.memory_space<semaphore_mem>>) src(%dma_wait3A_127 : memref<10240x128xf32, #tpu.memory_space<hbm>>) dst(%arg8 : memref<64x128xf32, #tpu.memory_space<vmem>>)
        %mul3A_128 = arith.constant 4 : i32
        %mul3A_129 = arith.muli %scan3A_89, %mul3A_128 : i32
        %add3A_130 = arith.constant 0 : i32
        %add3A_131 = arith.addi %mul3A_129, %add3A_130 : i32
        %dma_start3A_132 = arith.constant 0 : i32
        %dma_start3A_133 = tpu.memref_slice %arg7[%add3A_131, %dma_start3A_132] : memref<32x64xi32, #tpu.memory_space<vmem>> -> memref<1x64xi32, #tpu.memory_space<vmem>>
        %dma_start3A_134 = tpu.memref_squeeze %dma_start3A_133 : memref<1x64xi32, #tpu.memory_space<vmem>> -> memref<64xi32, #tpu.memory_space<vmem>>
        %dma_start3A_135 = arith.constant 0 : i32
        %dma_start3A_136 = arith.constant 0 : i32
        %dma_start3A_137 = tpu.memref_slice %arg12[%dma_start3A_135, %dma_start3A_136] : memref<10240x128xf32, #tpu.memory_space<vmem_shared>> -> memref<10240x128xf32, #tpu.memory_space<vmem_shared>>
        tpu.enqueue_indirect_dma source(%arg8 : memref<64x128xf32, #tpu.memory_space<vmem>>) target(%dma_start3A_137 : memref<10240x128xf32, #tpu.memory_space<vmem_shared>>) offsets(%dma_start3A_134 : memref<64xi32, #tpu.memory_space<vmem>>) semaphore(%arg17 : memref<!tpu.dma_semaphore, #tpu.memory_space<semaphore_mem>>) {add = true}
        %dma_wait3A_138 = arith.constant 0 : i32
        %dma_wait3A_139 = tpu.memref_slice %arg6[%add3A_107, %dma_wait3A_138] : memref<32x64xi32, #tpu.memory_space<vmem>> -> memref<1x64xi32, #tpu.memory_space<vmem>>
        %dma_wait3A_140 = tpu.memref_squeeze %dma_wait3A_139 : memref<1x64xi32, #tpu.memory_space<vmem>> -> memref<64xi32, #tpu.memory_space<vmem>>
        %dma_wait3A_141 = arith.constant 0 : i32
        %dma_wait3A_142 = arith.constant 0 : i32
        %dma_wait3A_143 = tpu.memref_slice %arg2[%dma_wait3A_141, %dma_wait3A_142] : memref<10240x128xf32, #tpu.memory_space<hbm>> -> memref<10240x128xf32, #tpu.memory_space<hbm>>
        tpu.wait_indirect_dma semaphore(%arg14 : memref<!tpu.dma_semaphore, #tpu.memory_space<semaphore_mem>>) src(%dma_wait3A_143 : memref<10240x128xf32, #tpu.memory_space<hbm>>) dst(%arg9 : memref<64x128xf32, #tpu.memory_space<vmem>>)
        %mul3A_144 = arith.constant 4 : i32
        %mul3A_145 = arith.muli %scan3A_89, %mul3A_144 : i32
        %add3A_146 = arith.constant 1 : i32
        %add3A_147 = arith.addi %mul3A_145, %add3A_146 : i32
        %dma_start3A_148 = arith.constant 0 : i32
        %dma_start3A_149 = tpu.memref_slice %arg7[%add3A_147, %dma_start3A_148] : memref<32x64xi32, #tpu.memory_space<vmem>> -> memref<1x64xi32, #tpu.memory_space<vmem>>
        %dma_start3A_150 = tpu.memref_squeeze %dma_start3A_149 : memref<1x64xi32, #tpu.memory_space<vmem>> -> memref<64xi32, #tpu.memory_space<vmem>>
        %dma_start3A_151 = arith.constant 0 : i32
        %dma_start3A_152 = arith.constant 0 : i32
        %dma_start3A_153 = tpu.memref_slice %arg12[%dma_start3A_151, %dma_start3A_152] : memref<10240x128xf32, #tpu.memory_space<vmem_shared>> -> memref<10240x128xf32, #tpu.memory_space<vmem_shared>>
        tpu.enqueue_indirect_dma source(%arg9 : memref<64x128xf32, #tpu.memory_space<vmem>>) target(%dma_start3A_153 : memref<10240x128xf32, #tpu.memory_space<vmem_shared>>) offsets(%dma_start3A_150 : memref<64xi32, #tpu.memory_space<vmem>>) semaphore(%arg18 : memref<!tpu.dma_semaphore, #tpu.memory_space<semaphore_mem>>) {add = true}
        %dma_wait3A_154 = arith.constant 0 : i32
        %dma_wait3A_155 = tpu.memref_slice %arg6[%add3A_114, %dma_wait3A_154] : memref<32x64xi32, #tpu.memory_space<vmem>> -> memref<1x64xi32, #tpu.memory_space<vmem>>
        %dma_wait3A_156 = tpu.memref_squeeze %dma_wait3A_155 : memref<1x64xi32, #tpu.memory_space<vmem>> -> memref<64xi32, #tpu.memory_space<vmem>>
        %dma_wait3A_157 = arith.constant 0 : i32
        %dma_wait3A_158 = arith.constant 0 : i32
        %dma_wait3A_159 = tpu.memref_slice %arg2[%dma_wait3A_157, %dma_wait3A_158] : memref<10240x128xf32, #tpu.memory_space<hbm>> -> memref<10240x128xf32, #tpu.memory_space<hbm>>
        tpu.wait_indirect_dma semaphore(%arg15 : memref<!tpu.dma_semaphore, #tpu.memory_space<semaphore_mem>>) src(%dma_wait3A_159 : memref<10240x128xf32, #tpu.memory_space<hbm>>) dst(%arg10 : memref<64x128xf32, #tpu.memory_space<vmem>>)
        %mul3A_160 = arith.constant 4 : i32
        %mul3A_161 = arith.muli %scan3A_89, %mul3A_160 : i32
        %add3A_162 = arith.constant 2 : i32
        %add3A_163 = arith.addi %mul3A_161, %add3A_162 : i32
        %dma_start3A_164 = arith.constant 0 : i32
        %dma_start3A_165 = tpu.memref_slice %arg7[%add3A_163, %dma_start3A_164] : memref<32x64xi32, #tpu.memory_space<vmem>> -> memref<1x64xi32, #tpu.memory_space<vmem>>
        %dma_start3A_166 = tpu.memref_squeeze %dma_start3A_165 : memref<1x64xi32, #tpu.memory_space<vmem>> -> memref<64xi32, #tpu.memory_space<vmem>>
        %dma_start3A_167 = arith.constant 0 : i32
        %dma_start3A_168 = arith.constant 0 : i32
        %dma_start3A_169 = tpu.memref_slice %arg12[%dma_start3A_167, %dma_start3A_168] : memref<10240x128xf32, #tpu.memory_space<vmem_shared>> -> memref<10240x128xf32, #tpu.memory_space<vmem_shared>>
        tpu.enqueue_indirect_dma source(%arg10 : memref<64x128xf32, #tpu.memory_space<vmem>>) target(%dma_start3A_169 : memref<10240x128xf32, #tpu.memory_space<vmem_shared>>) offsets(%dma_start3A_166 : memref<64xi32, #tpu.memory_space<vmem>>) semaphore(%arg19 : memref<!tpu.dma_semaphore, #tpu.memory_space<semaphore_mem>>) {add = true}
        %dma_wait3A_170 = arith.constant 0 : i32
        %dma_wait3A_171 = tpu.memref_slice %arg6[%add3A_121, %dma_wait3A_170] : memref<32x64xi32, #tpu.memory_space<vmem>> -> memref<1x64xi32, #tpu.memory_space<vmem>>
        %dma_wait3A_172 = tpu.memref_squeeze %dma_wait3A_171 : memref<1x64xi32, #tpu.memory_space<vmem>> -> memref<64xi32, #tpu.memory_space<vmem>>
        %dma_wait3A_173 = arith.constant 0 : i32
        %dma_wait3A_174 = arith.constant 0 : i32
        %dma_wait3A_175 = tpu.memref_slice %arg2[%dma_wait3A_173, %dma_wait3A_174] : memref<10240x128xf32, #tpu.memory_space<hbm>> -> memref<10240x128xf32, #tpu.memory_space<hbm>>
        tpu.wait_indirect_dma semaphore(%arg16 : memref<!tpu.dma_semaphore, #tpu.memory_space<semaphore_mem>>) src(%dma_wait3A_175 : memref<10240x128xf32, #tpu.memory_space<hbm>>) dst(%arg11 : memref<64x128xf32, #tpu.memory_space<vmem>>)
        %mul3A_176 = arith.constant 4 : i32
        %mul3A_177 = arith.muli %scan3A_89, %mul3A_176 : i32
        %add3A_178 = arith.constant 3 : i32
        %add3A_179 = arith.addi %mul3A_177, %add3A_178 : i32
        %dma_start3A_180 = arith.constant 0 : i32
        %dma_start3A_181 = tpu.memref_slice %arg7[%add3A_179, %dma_start3A_180] : memref<32x64xi32, #tpu.memory_space<vmem>> -> memref<1x64xi32, #tpu.memory_space<vmem>>
        %dma_start3A_182 = tpu.memref_squeeze %dma_start3A_181 : memref<1x64xi32, #tpu.memory_space<vmem>> -> memref<64xi32, #tpu.memory_space<vmem>>
        %dma_start3A_183 = arith.constant 0 : i32
        %dma_start3A_184 = arith.constant 0 : i32
        %dma_start3A_185 = tpu.memref_slice %arg12[%dma_start3A_183, %dma_start3A_184] : memref<10240x128xf32, #tpu.memory_space<vmem_shared>> -> memref<10240x128xf32, #tpu.memory_space<vmem_shared>>
        tpu.enqueue_indirect_dma source(%arg11 : memref<64x128xf32, #tpu.memory_space<vmem>>) target(%dma_start3A_185 : memref<10240x128xf32, #tpu.memory_space<vmem_shared>>) offsets(%dma_start3A_182 : memref<64xi32, #tpu.memory_space<vmem>>) semaphore(%arg20 : memref<!tpu.dma_semaphore, #tpu.memory_space<semaphore_mem>>) {add = true}
      }
      %scan3A_88 = arith.constant 8 : i32
    }
    %scan3A_46 = arith.constant 5 : i32
    %dma_wait3A_47 = arith.constant 0 : i32
    %dma_wait3A_48 = arith.constant 0 : i32
    %dma_wait3A_49 = tpu.memref_slice %arg12[%dma_wait3A_47, %dma_wait3A_48] : memref<10240x128xf32, #tpu.memory_space<vmem_shared>> -> memref<64x128xf32, #tpu.memory_space<vmem_shared>>
    %dma_wait3A_50 = arith.constant 0 : i32
    %dma_wait3A_51 = arith.constant 0 : i32
    %dma_wait3A_52 = tpu.memref_slice %arg12[%dma_wait3A_50, %dma_wait3A_51] : memref<10240x128xf32, #tpu.memory_space<vmem_shared>> -> memref<64x128xf32, #tpu.memory_space<vmem_shared>>
    tpu.wait_dma2 semaphore(%arg17 : memref<!tpu.dma_semaphore, #tpu.memory_space<semaphore_mem>>) src(%arg8 : memref<64x128xf32, #tpu.memory_space<vmem>>) dst(%dma_wait3A_52 : memref<64x128xf32, #tpu.memory_space<vmem_shared>>)
    %dma_wait3A_53 = arith.constant 0 : i32
    %dma_wait3A_54 = arith.constant 0 : i32
    %dma_wait3A_55 = tpu.memref_slice %arg12[%dma_wait3A_53, %dma_wait3A_54] : memref<10240x128xf32, #tpu.memory_space<vmem_shared>> -> memref<64x128xf32, #tpu.memory_space<vmem_shared>>
    %dma_wait3A_56 = arith.constant 0 : i32
    %dma_wait3A_57 = arith.constant 0 : i32
    %dma_wait3A_58 = tpu.memref_slice %arg12[%dma_wait3A_56, %dma_wait3A_57] : memref<10240x128xf32, #tpu.memory_space<vmem_shared>> -> memref<64x128xf32, #tpu.memory_space<vmem_shared>>
    tpu.wait_dma2 semaphore(%arg18 : memref<!tpu.dma_semaphore, #tpu.memory_space<semaphore_mem>>) src(%arg9 : memref<64x128xf32, #tpu.memory_space<vmem>>) dst(%dma_wait3A_58 : memref<64x128xf32, #tpu.memory_space<vmem_shared>>)
    %dma_wait3A_59 = arith.constant 0 : i32
    %dma_wait3A_60 = arith.constant 0 : i32
    %dma_wait3A_61 = tpu.memref_slice %arg12[%dma_wait3A_59, %dma_wait3A_60] : memref<10240x128xf32, #tpu.memory_space<vmem_shared>> -> memref<64x128xf32, #tpu.memory_space<vmem_shared>>
    %dma_wait3A_62 = arith.constant 0 : i32
    %dma_wait3A_63 = arith.constant 0 : i32
    %dma_wait3A_64 = tpu.memref_slice %arg12[%dma_wait3A_62, %dma_wait3A_63] : memref<10240x128xf32, #tpu.memory_space<vmem_shared>> -> memref<64x128xf32, #tpu.memory_space<vmem_shared>>
    tpu.wait_dma2 semaphore(%arg19 : memref<!tpu.dma_semaphore, #tpu.memory_space<semaphore_mem>>) src(%arg10 : memref<64x128xf32, #tpu.memory_space<vmem>>) dst(%dma_wait3A_64 : memref<64x128xf32, #tpu.memory_space<vmem_shared>>)
    %dma_wait3A_65 = arith.constant 0 : i32
    %dma_wait3A_66 = arith.constant 0 : i32
    %dma_wait3A_67 = tpu.memref_slice %arg12[%dma_wait3A_65, %dma_wait3A_66] : memref<10240x128xf32, #tpu.memory_space<vmem_shared>> -> memref<64x128xf32, #tpu.memory_space<vmem_shared>>
    %dma_wait3A_68 = arith.constant 0 : i32
    %dma_wait3A_69 = arith.constant 0 : i32
    %dma_wait3A_70 = tpu.memref_slice %arg12[%dma_wait3A_68, %dma_wait3A_69] : memref<10240x128xf32, #tpu.memory_space<vmem_shared>> -> memref<64x128xf32, #tpu.memory_space<vmem_shared>>
    tpu.wait_dma2 semaphore(%arg20 : memref<!tpu.dma_semaphore, #tpu.memory_space<semaphore_mem>>) src(%arg11 : memref<64x128xf32, #tpu.memory_space<vmem>>) dst(%dma_wait3A_70 : memref<64x128xf32, #tpu.memory_space<vmem_shared>>)
    %barrier3A_71 = arith.constant 0 : index
    tpu.barrier barrier_id(%barrier3A_71)
    %mul3A_72 = arith.constant 640 : i32
    %mul3A_73 = arith.muli %arg1, %mul3A_72 : i32
    %mul3A_74 = arith.constant 640 : i32
    %mul3A_75 = arith.muli %arg1, %mul3A_74 : i32
    "tpu.region"() ({
      %run_scoped3A = tpu.sem_alloc : memref<!tpu.dma_semaphore, #tpu.memory_space<semaphore_mem>>
      %dma_start3A_76 = arith.constant 0 : i32
      %dma_start3A_77 = tpu.memref_slice %arg5[%arg0, %mul3A_75, %dma_start3A_76] : memref<2x10240x128xf32, #tpu.memory_space<hbm>> -> memref<1x640x128xf32, #tpu.memory_space<hbm>>
      %dma_start3A_78 = tpu.memref_squeeze %dma_start3A_77 : memref<1x640x128xf32, #tpu.memory_space<hbm>> -> memref<640x128xf32, #tpu.memory_space<hbm>>
      %dma_start3A_79 = arith.constant 0 : i32
      %dma_start3A_80 = tpu.memref_slice %arg12[%mul3A_73, %dma_start3A_79] : memref<10240x128xf32, #tpu.memory_space<vmem_shared>> -> memref<640x128xf32, #tpu.memory_space<vmem_shared>>
      tpu.enqueue_dma source(%dma_start3A_80 : memref<640x128xf32, #tpu.memory_space<vmem_shared>>) target(%dma_start3A_78 : memref<640x128xf32, #tpu.memory_space<hbm>>) target_semaphore(%run_scoped3A : memref<!tpu.dma_semaphore, #tpu.memory_space<semaphore_mem>>)
      %dma_wait3A_81 = arith.constant 0 : i32
      %dma_wait3A_82 = tpu.memref_slice %arg5[%arg0, %mul3A_75, %dma_wait3A_81] : memref<2x10240x128xf32, #tpu.memory_space<hbm>> -> memref<1x640x128xf32, #tpu.memory_space<hbm>>
      %dma_wait3A_83 = tpu.memref_squeeze %dma_wait3A_82 : memref<1x640x128xf32, #tpu.memory_space<hbm>> -> memref<640x128xf32, #tpu.memory_space<hbm>>
      %dma_wait3A_84 = arith.constant 0 : i32
      %dma_wait3A_85 = tpu.memref_slice %arg12[%mul3A_73, %dma_wait3A_84] : memref<10240x128xf32, #tpu.memory_space<vmem_shared>> -> memref<640x128xf32, #tpu.memory_space<vmem_shared>>
      tpu.wait_dma2 semaphore(%run_scoped3A : memref<!tpu.dma_semaphore, #tpu.memory_space<semaphore_mem>>) src(%dma_wait3A_85 : memref<640x128xf32, #tpu.memory_space<vmem_shared>>) dst(%dma_wait3A_83 : memref<640x128xf32, #tpu.memory_space<hbm>>)
      tpu.yield
    }) : () -> ()
    return
  }
}

#map = affine_map<(d0, d1) -> (0, 0)>
#map1 = affine_map<(d0, d1) -> (0)>
module attributes {stable_mosaic.version = 14 : i64} {
  func.func @_sc_degree(%arg0: i32, %arg1: i32, %arg2: memref<2560x128xi32, #tpu.memory_space<hbm>>, %arg3: memref<20480xf32, #tpu.memory_space<hbm>>, %arg4: memref<80x128xi32, #tpu.memory_space<vmem>>, %arg5: memref<128xf32, #tpu.memory_space<vmem>>, %arg6: memref<640xf32, #tpu.memory_space<vmem>>, %arg7: memref<10240xf32, #tpu.memory_space<vmem_shared>>, %arg8: memref<!tpu.dma_semaphore, #tpu.memory_space<semaphore_mem>>) attributes {dimension_semantics = [#tpu.dimension_semantics<core_parallel>, #tpu.dimension_semantics<subcore_parallel>], iteration_bounds = array<i64: 2, 16>, scalar_prefetch = 0 : i64, scratch_operands = 5 : i64, tpu.core_type = #tpu.core_type<sc_vector_subcore>, window_params = [{transform_indices = #map}, {transform_indices = #map1}]} {
    %mul3A = arith.constant 16 : i32
    %mul3A_0 = arith.muli %arg0, %mul3A : i32
    %add3A = arith.addi %mul3A_0, %arg1 : i32
    %broadcast_in_dim3A = arith.constant 1.000000e+00 : f32
    %broadcast_in_dim3A_1 = vector.broadcast %broadcast_in_dim3A : f32 to vector<16xf32>
    %swap3A = arith.constant 0 : index
    %swap3A_2 = tpu.vector_load %arg5[%swap3A] {strides = array<i32>} : memref<128xf32, #tpu.memory_space<vmem>>, vector<16xf32>,
    %swap3A_3 = vector.shape_cast %swap3A_2 : vector<16xf32> to vector<16xf32>
    %swap3A_4 = vector.shape_cast %broadcast_in_dim3A_1 : vector<16xf32> to vector<16xf32>
    tpu.vector_store %arg5[%swap3A], %swap3A_4 {strides = array<i32>} : memref<128xf32, #tpu.memory_space<vmem>>, vector<16xf32>,
    %broadcast_in_dim3A_5 = arith.constant 1.000000e+00 : f32
    %broadcast_in_dim3A_6 = vector.broadcast %broadcast_in_dim3A_5 : f32 to vector<16xf32>
    %swap3A_7 = arith.constant 16 : index
    %swap3A_8 = tpu.vector_load %arg5[%swap3A_7] {strides = array<i32>} : memref<128xf32, #tpu.memory_space<vmem>>, vector<16xf32>,
    %swap3A_9 = vector.shape_cast %swap3A_8 : vector<16xf32> to vector<16xf32>
    %swap3A_10 = vector.shape_cast %broadcast_in_dim3A_6 : vector<16xf32> to vector<16xf32>
    tpu.vector_store %arg5[%swap3A_7], %swap3A_10 {strides = array<i32>} : memref<128xf32, #tpu.memory_space<vmem>>, vector<16xf32>,
    %broadcast_in_dim3A_11 = arith.constant 1.000000e+00 : f32
    %broadcast_in_dim3A_12 = vector.broadcast %broadcast_in_dim3A_11 : f32 to vector<16xf32>
    %swap3A_13 = arith.constant 32 : index
    %swap3A_14 = tpu.vector_load %arg5[%swap3A_13] {strides = array<i32>} : memref<128xf32, #tpu.memory_space<vmem>>, vector<16xf32>,
    %swap3A_15 = vector.shape_cast %swap3A_14 : vector<16xf32> to vector<16xf32>
    %swap3A_16 = vector.shape_cast %broadcast_in_dim3A_12 : vector<16xf32> to vector<16xf32>
    tpu.vector_store %arg5[%swap3A_13], %swap3A_16 {strides = array<i32>} : memref<128xf32, #tpu.memory_space<vmem>>, vector<16xf32>,
    %broadcast_in_dim3A_17 = arith.constant 1.000000e+00 : f32
    %broadcast_in_dim3A_18 = vector.broadcast %broadcast_in_dim3A_17 : f32 to vector<16xf32>
    %swap3A_19 = arith.constant 48 : index
    %swap3A_20 = tpu.vector_load %arg5[%swap3A_19] {strides = array<i32>} : memref<128xf32, #tpu.memory_space<vmem>>, vector<16xf32>,
    %swap3A_21 = vector.shape_cast %swap3A_20 : vector<16xf32> to vector<16xf32>
    %swap3A_22 = vector.shape_cast %broadcast_in_dim3A_18 : vector<16xf32> to vector<16xf32>
    tpu.vector_store %arg5[%swap3A_19], %swap3A_22 {strides = array<i32>} : memref<128xf32, #tpu.memory_space<vmem>>, vector<16xf32>,
    %broadcast_in_dim3A_23 = arith.constant 1.000000e+00 : f32
    %broadcast_in_dim3A_24 = vector.broadcast %broadcast_in_dim3A_23 : f32 to vector<16xf32>
    %swap3A_25 = arith.constant 64 : index
    %swap3A_26 = tpu.vector_load %arg5[%swap3A_25] {strides = array<i32>} : memref<128xf32, #tpu.memory_space<vmem>>, vector<16xf32>,
    %swap3A_27 = vector.shape_cast %swap3A_26 : vector<16xf32> to vector<16xf32>
    %swap3A_28 = vector.shape_cast %broadcast_in_dim3A_24 : vector<16xf32> to vector<16xf32>
    tpu.vector_store %arg5[%swap3A_25], %swap3A_28 {strides = array<i32>} : memref<128xf32, #tpu.memory_space<vmem>>, vector<16xf32>,
    %broadcast_in_dim3A_29 = arith.constant 1.000000e+00 : f32
    %broadcast_in_dim3A_30 = vector.broadcast %broadcast_in_dim3A_29 : f32 to vector<16xf32>
    %swap3A_31 = arith.constant 80 : index
    %swap3A_32 = tpu.vector_load %arg5[%swap3A_31] {strides = array<i32>} : memref<128xf32, #tpu.memory_space<vmem>>, vector<16xf32>,
    %swap3A_33 = vector.shape_cast %swap3A_32 : vector<16xf32> to vector<16xf32>
    %swap3A_34 = vector.shape_cast %broadcast_in_dim3A_30 : vector<16xf32> to vector<16xf32>
    tpu.vector_store %arg5[%swap3A_31], %swap3A_34 {strides = array<i32>} : memref<128xf32, #tpu.memory_space<vmem>>, vector<16xf32>,
    %broadcast_in_dim3A_35 = arith.constant 1.000000e+00 : f32
    %broadcast_in_dim3A_36 = vector.broadcast %broadcast_in_dim3A_35 : f32 to vector<16xf32>
    %swap3A_37 = arith.constant 96 : index
    %swap3A_38 = tpu.vector_load %arg5[%swap3A_37] {strides = array<i32>} : memref<128xf32, #tpu.memory_space<vmem>>, vector<16xf32>,
    %swap3A_39 = vector.shape_cast %swap3A_38 : vector<16xf32> to vector<16xf32>
    %swap3A_40 = vector.shape_cast %broadcast_in_dim3A_36 : vector<16xf32> to vector<16xf32>
    tpu.vector_store %arg5[%swap3A_37], %swap3A_40 {strides = array<i32>} : memref<128xf32, #tpu.memory_space<vmem>>, vector<16xf32>,
    %broadcast_in_dim3A_41 = arith.constant 1.000000e+00 : f32
    %broadcast_in_dim3A_42 = vector.broadcast %broadcast_in_dim3A_41 : f32 to vector<16xf32>
    %swap3A_43 = arith.constant 112 : index
    %swap3A_44 = tpu.vector_load %arg5[%swap3A_43] {strides = array<i32>} : memref<128xf32, #tpu.memory_space<vmem>>, vector<16xf32>,
    %swap3A_45 = vector.shape_cast %swap3A_44 : vector<16xf32> to vector<16xf32>
    %swap3A_46 = vector.shape_cast %broadcast_in_dim3A_42 : vector<16xf32> to vector<16xf32>
    tpu.vector_store %arg5[%swap3A_43], %swap3A_46 {strides = array<i32>} : memref<128xf32, #tpu.memory_space<vmem>>, vector<16xf32>,
    %scan3A = arith.constant 0 : i32
    %scan3A_47 = arith.constant 40 : i32
    %scan3A_48 = arith.addi %scan3A, %scan3A_47 : i32
    %scan3A_49 = arith.constant 1 : i32
    scf.for %scan3A_73 = %scan3A to %scan3A_48 step %scan3A_49  : i32 {
      %broadcast_in_dim3A_74 = arith.constant 0.000000e+00 : f32
      %broadcast_in_dim3A_75 = vector.broadcast %broadcast_in_dim3A_74 : f32 to vector<16xf32>
      %mul3A_76 = arith.constant 16 : i32
      %mul3A_77 = arith.muli %scan3A_73, %mul3A_76 : i32
      %swap3A_78 = arith.index_cast %mul3A_77 : i32 to index
      %swap3A_79 = tpu.vector_load %arg6[%swap3A_78] {strides = array<i32>} : memref<640xf32, #tpu.memory_space<vmem>>, vector<16xf32>,
      %swap3A_80 = vector.shape_cast %swap3A_79 : vector<16xf32> to vector<16xf32>
      %swap3A_81 = vector.shape_cast %broadcast_in_dim3A_75 : vector<16xf32> to vector<16xf32>
      tpu.vector_store %arg6[%swap3A_78], %swap3A_81 {strides = array<i32>} : memref<640xf32, #tpu.memory_space<vmem>>, vector<16xf32>,
    }
    %scan3A_50 = arith.constant 40 : i32
    %mul3A_51 = arith.constant 640 : i32
    %mul3A_52 = arith.muli %arg1, %mul3A_51 : i32
    "tpu.region"() ({
      %run_scoped3A = tpu.sem_alloc : memref<!tpu.dma_semaphore, #tpu.memory_space<semaphore_mem>>
      %dma_start3A = tpu.memref_slice %arg7[%mul3A_52] : memref<10240xf32, #tpu.memory_space<vmem_shared>> -> memref<640xf32, #tpu.memory_space<vmem_shared>>
      %dma_start3A_73 = tpu.memref_slice %arg7[%mul3A_52] : memref<10240xf32, #tpu.memory_space<vmem_shared>> -> memref<640xf32, #tpu.memory_space<vmem_shared>>
      tpu.enqueue_dma source(%arg6 : memref<640xf32, #tpu.memory_space<vmem>>) target(%dma_start3A_73 : memref<640xf32, #tpu.memory_space<vmem_shared>>) target_semaphore(%run_scoped3A : memref<!tpu.dma_semaphore, #tpu.memory_space<semaphore_mem>>)
      %dma_wait3A = tpu.memref_slice %arg7[%mul3A_52] : memref<10240xf32, #tpu.memory_space<vmem_shared>> -> memref<640xf32, #tpu.memory_space<vmem_shared>>
      %dma_wait3A_74 = tpu.memref_slice %arg7[%mul3A_52] : memref<10240xf32, #tpu.memory_space<vmem_shared>> -> memref<640xf32, #tpu.memory_space<vmem_shared>>
      tpu.wait_dma2 semaphore(%run_scoped3A : memref<!tpu.dma_semaphore, #tpu.memory_space<semaphore_mem>>) src(%arg6 : memref<640xf32, #tpu.memory_space<vmem>>) dst(%dma_wait3A_74 : memref<640xf32, #tpu.memory_space<vmem_shared>>)
      tpu.yield
    }) : () -> ()
    %mul3A_53 = arith.constant 80 : i32
    %mul3A_54 = arith.muli %add3A, %mul3A_53 : i32
    "tpu.region"() ({
      %run_scoped3A = tpu.sem_alloc : memref<!tpu.dma_semaphore, #tpu.memory_space<semaphore_mem>>
      %dma_start3A = arith.constant 0 : i32
      %dma_start3A_73 = tpu.memref_slice %arg2[%mul3A_54, %dma_start3A] : memref<2560x128xi32, #tpu.memory_space<hbm>> -> memref<80x128xi32, #tpu.memory_space<hbm>>
      %dma_start3A_74 = arith.constant 0 : i32
      %dma_start3A_75 = tpu.memref_slice %arg2[%mul3A_54, %dma_start3A_74] : memref<2560x128xi32, #tpu.memory_space<hbm>> -> memref<80x128xi32, #tpu.memory_space<hbm>>
      tpu.enqueue_dma source(%dma_start3A_75 : memref<80x128xi32, #tpu.memory_space<hbm>>) target(%arg4 : memref<80x128xi32, #tpu.memory_space<vmem>>) target_semaphore(%run_scoped3A : memref<!tpu.dma_semaphore, #tpu.memory_space<semaphore_mem>>)
      %dma_wait3A = arith.constant 0 : i32
      %dma_wait3A_76 = tpu.memref_slice %arg2[%mul3A_54, %dma_wait3A] : memref<2560x128xi32, #tpu.memory_space<hbm>> -> memref<80x128xi32, #tpu.memory_space<hbm>>
      %dma_wait3A_77 = arith.constant 0 : i32
      %dma_wait3A_78 = tpu.memref_slice %arg2[%mul3A_54, %dma_wait3A_77] : memref<2560x128xi32, #tpu.memory_space<hbm>> -> memref<80x128xi32, #tpu.memory_space<hbm>>
      tpu.wait_dma2 semaphore(%run_scoped3A : memref<!tpu.dma_semaphore, #tpu.memory_space<semaphore_mem>>) src(%dma_wait3A_78 : memref<80x128xi32, #tpu.memory_space<hbm>>) dst(%arg4 : memref<80x128xi32, #tpu.memory_space<vmem>>)
      tpu.yield
    }) : () -> ()
    %barrier3A = arith.constant 0 : index
    tpu.barrier barrier_id(%barrier3A)
    %scan3A_55 = arith.constant 0 : i32
    %scan3A_56 = arith.constant 80 : i32
    %scan3A_57 = arith.addi %scan3A_55, %scan3A_56 : i32
    %scan3A_58 = arith.constant 1 : i32
    scf.for %scan3A_73 = %scan3A_55 to %scan3A_57 step %scan3A_58  : i32 {
      %dma_start3A = arith.constant 0 : i32
      %dma_start3A_74 = tpu.memref_slice %arg4[%scan3A_73, %dma_start3A] : memref<80x128xi32, #tpu.memory_space<vmem>> -> memref<1x128xi32, #tpu.memory_space<vmem>>
      %dma_start3A_75 = tpu.memref_squeeze %dma_start3A_74 : memref<1x128xi32, #tpu.memory_space<vmem>> -> memref<128xi32, #tpu.memory_space<vmem>>
      %dma_start3A_76 = arith.constant 0 : i32
      %dma_start3A_77 = tpu.memref_slice %arg7[%dma_start3A_76] : memref<10240xf32, #tpu.memory_space<vmem_shared>> -> memref<10240xf32, #tpu.memory_space<vmem_shared>>
      tpu.enqueue_indirect_dma source(%arg5 : memref<128xf32, #tpu.memory_space<vmem>>) target(%dma_start3A_77 : memref<10240xf32, #tpu.memory_space<vmem_shared>>) offsets(%dma_start3A_75 : memref<128xi32, #tpu.memory_space<vmem>>) semaphore(%arg8 : memref<!tpu.dma_semaphore, #tpu.memory_space<semaphore_mem>>) {add = true}
    }
    %scan3A_59 = arith.constant 80 : i32
    %scan3A_60 = arith.constant 0 : i32
    %scan3A_61 = arith.constant 80 : i32
    %scan3A_62 = arith.addi %scan3A_60, %scan3A_61 : i32
    %scan3A_63 = arith.constant 1 : i32
    scf.for %scan3A_73 = %scan3A_60 to %scan3A_62 step %scan3A_63  : i32 {
      %dma_wait3A = arith.constant 0 : i32
      %dma_wait3A_74 = tpu.memref_slice %arg7[%dma_wait3A] : memref<10240xf32, #tpu.memory_space<vmem_shared>> -> memref<128xf32, #tpu.memory_space<vmem_shared>>
      %dma_wait3A_75 = arith.constant 0 : i32
      %dma_wait3A_76 = tpu.memref_slice %arg7[%dma_wait3A_75] : memref<10240xf32, #tpu.memory_space<vmem_shared>> -> memref<128xf32, #tpu.memory_space<vmem_shared>>
      tpu.wait_dma2 semaphore(%arg8 : memref<!tpu.dma_semaphore, #tpu.memory_space<semaphore_mem>>) src(%arg5 : memref<128xf32, #tpu.memory_space<vmem>>) dst(%dma_wait3A_76 : memref<128xf32, #tpu.memory_space<vmem_shared>>)
    }
    %scan3A_64 = arith.constant 80 : i32
    %barrier3A_65 = arith.constant 0 : index
    tpu.barrier barrier_id(%barrier3A_65)
    %mul3A_66 = arith.constant 640 : i32
    %mul3A_67 = arith.muli %arg1, %mul3A_66 : i32
    %mul3A_68 = arith.constant 10240 : i32
    %mul3A_69 = arith.muli %arg0, %mul3A_68 : i32
    %mul3A_70 = arith.constant 640 : i32
    %mul3A_71 = arith.muli %arg1, %mul3A_70 : i32
    %add3A_72 = arith.addi %mul3A_69, %mul3A_71 : i32
    "tpu.region"() ({
      %run_scoped3A = tpu.sem_alloc : memref<!tpu.dma_semaphore, #tpu.memory_space<semaphore_mem>>
      %dma_start3A = tpu.memref_slice %arg3[%add3A_72] : memref<20480xf32, #tpu.memory_space<hbm>> -> memref<640xf32, #tpu.memory_space<hbm>>
      %dma_start3A_73 = tpu.memref_slice %arg7[%mul3A_67] : memref<10240xf32, #tpu.memory_space<vmem_shared>> -> memref<640xf32, #tpu.memory_space<vmem_shared>>
      tpu.enqueue_dma source(%dma_start3A_73 : memref<640xf32, #tpu.memory_space<vmem_shared>>) target(%dma_start3A : memref<640xf32, #tpu.memory_space<hbm>>) target_semaphore(%run_scoped3A : memref<!tpu.dma_semaphore, #tpu.memory_space<semaphore_mem>>)
      %dma_wait3A = tpu.memref_slice %arg3[%add3A_72] : memref<20480xf32, #tpu.memory_space<hbm>> -> memref<640xf32, #tpu.memory_space<hbm>>
      %dma_wait3A_74 = tpu.memref_slice %arg7[%mul3A_67] : memref<10240xf32, #tpu.memory_space<vmem_shared>> -> memref<640xf32, #tpu.memory_space<vmem_shared>>
      tpu.wait_dma2 semaphore(%run_scoped3A : memref<!tpu.dma_semaphore, #tpu.memory_space<semaphore_mem>>) src(%dma_wait3A_74 : memref<640xf32, #tpu.memory_space<vmem_shared>>) dst(%dma_wait3A : memref<640xf32, #tpu.memory_space<hbm>>)
      tpu.yield
    }) : () -> ()
    return
  }
}

#map = affine_map<(d0, d1) -> (0, 0)>
#map1 = affine_map<(d0, d1) -> (0, 0, 0)>
module attributes {stable_mosaic.version = 14 : i64} {
  func.func @_sc_aggregate(%arg0: i32, %arg1: i32, %arg2: memref<10240x128xf32, #tpu.memory_space<hbm>>, %arg3: memref<5120x64xi32, #tpu.memory_space<hbm>>, %arg4: memref<5120x64xi32, #tpu.memory_space<hbm>>, %arg5: memref<2x10240x128xf32, #tpu.memory_space<hbm>>, %arg6: memref<32x64xi32, #tpu.memory_space<vmem>>, %arg7: memref<32x64xi32, #tpu.memory_space<vmem>>, %arg8: memref<64x128xf32, #tpu.memory_space<vmem>>, %arg9: memref<64x128xf32, #tpu.memory_space<vmem>>, %arg10: memref<64x128xf32, #tpu.memory_space<vmem>>, %arg11: memref<64x128xf32, #tpu.memory_space<vmem>>, %arg12: memref<10240x128xf32, #tpu.memory_space<vmem_shared>>, %arg13: memref<!tpu.dma_semaphore, #tpu.memory_space<semaphore_mem>>, %arg14: memref<!tpu.dma_semaphore, #tpu.memory_space<semaphore_mem>>, %arg15: memref<!tpu.dma_semaphore, #tpu.memory_space<semaphore_mem>>, %arg16: memref<!tpu.dma_semaphore, #tpu.memory_space<semaphore_mem>>, %arg17: memref<!tpu.dma_semaphore, #tpu.memory_space<semaphore_mem>>, %arg18: memref<!tpu.dma_semaphore, #tpu.memory_space<semaphore_mem>>, %arg19: memref<!tpu.dma_semaphore, #tpu.memory_space<semaphore_mem>>, %arg20: memref<!tpu.dma_semaphore, #tpu.memory_space<semaphore_mem>>, %arg21: memref<!tpu.dma_semaphore, #tpu.memory_space<semaphore_mem>>) attributes {dimension_semantics = [#tpu.dimension_semantics<core_parallel>, #tpu.dimension_semantics<subcore_parallel>], iteration_bounds = array<i64: 2, 16>, scalar_prefetch = 0 : i64, scratch_operands = 16 : i64, tpu.core_type = #tpu.core_type<sc_vector_subcore>, window_params = [{transform_indices = #map}, {transform_indices = #map}, {transform_indices = #map}, {transform_indices = #map1}]} {
    %mul3A = arith.constant 16 : i32
    %mul3A_0 = arith.muli %arg0, %mul3A : i32
    %add3A = arith.addi %mul3A_0, %arg1 : i32
    %mul3A_1 = arith.constant 640 : i32
    %mul3A_2 = arith.muli %arg1, %mul3A_1 : i32
    %mul3A_3 = arith.constant 640 : i32
    %mul3A_4 = arith.muli %arg1, %mul3A_3 : i32
    %dma_start3A = arith.constant 0 : i32
    %dma_start3A_5 = tpu.memref_slice %arg12[%mul3A_4, %dma_start3A] : memref<10240x128xf32, #tpu.memory_space<vmem_shared>> -> memref<640x128xf32, #tpu.memory_space<vmem_shared>>
    %dma_start3A_6 = arith.constant 0 : i32
    %dma_start3A_7 = tpu.memref_slice %arg2[%mul3A_2, %dma_start3A_6] : memref<10240x128xf32, #tpu.memory_space<hbm>> -> memref<640x128xf32, #tpu.memory_space<hbm>>
    tpu.enqueue_dma source(%dma_start3A_7 : memref<640x128xf32, #tpu.memory_space<hbm>>) target(%dma_start3A_5 : memref<640x128xf32, #tpu.memory_space<vmem_shared>>) target_semaphore(%arg21 : memref<!tpu.dma_semaphore, #tpu.memory_space<semaphore_mem>>)
    %mul3A_8 = arith.constant 160 : i32
    %mul3A_9 = arith.muli %add3A, %mul3A_8 : i32
    "tpu.region"() ({
      %run_scoped3A = tpu.sem_alloc : memref<!tpu.dma_semaphore, #tpu.memory_space<semaphore_mem>>
      %dma_start3A_76 = arith.constant 0 : i32
      %dma_start3A_77 = tpu.memref_slice %arg3[%mul3A_9, %dma_start3A_76] : memref<5120x64xi32, #tpu.memory_space<hbm>> -> memref<32x64xi32, #tpu.memory_space<hbm>>
      %dma_start3A_78 = arith.constant 0 : i32
      %dma_start3A_79 = tpu.memref_slice %arg3[%mul3A_9, %dma_start3A_78] : memref<5120x64xi32, #tpu.memory_space<hbm>> -> memref<32x64xi32, #tpu.memory_space<hbm>>
      tpu.enqueue_dma source(%dma_start3A_79 : memref<32x64xi32, #tpu.memory_space<hbm>>) target(%arg6 : memref<32x64xi32, #tpu.memory_space<vmem>>) target_semaphore(%run_scoped3A : memref<!tpu.dma_semaphore, #tpu.memory_space<semaphore_mem>>)
      %dma_wait3A_80 = arith.constant 0 : i32
      %dma_wait3A_81 = tpu.memref_slice %arg3[%mul3A_9, %dma_wait3A_80] : memref<5120x64xi32, #tpu.memory_space<hbm>> -> memref<32x64xi32, #tpu.memory_space<hbm>>
      %dma_wait3A_82 = arith.constant 0 : i32
      %dma_wait3A_83 = tpu.memref_slice %arg3[%mul3A_9, %dma_wait3A_82] : memref<5120x64xi32, #tpu.memory_space<hbm>> -> memref<32x64xi32, #tpu.memory_space<hbm>>
      tpu.wait_dma2 semaphore(%run_scoped3A : memref<!tpu.dma_semaphore, #tpu.memory_space<semaphore_mem>>) src(%dma_wait3A_83 : memref<32x64xi32, #tpu.memory_space<hbm>>) dst(%arg6 : memref<32x64xi32, #tpu.memory_space<vmem>>)
      tpu.yield
    }) : () -> ()
    %mul3A_10 = arith.constant 160 : i32
    %mul3A_11 = arith.muli %add3A, %mul3A_10 : i32
    "tpu.region"() ({
      %run_scoped3A = tpu.sem_alloc : memref<!tpu.dma_semaphore, #tpu.memory_space<semaphore_mem>>
      %dma_start3A_76 = arith.constant 0 : i32
      %dma_start3A_77 = tpu.memref_slice %arg4[%mul3A_11, %dma_start3A_76] : memref<5120x64xi32, #tpu.memory_space<hbm>> -> memref<32x64xi32, #tpu.memory_space<hbm>>
      %dma_start3A_78 = arith.constant 0 : i32
      %dma_start3A_79 = tpu.memref_slice %arg4[%mul3A_11, %dma_start3A_78] : memref<5120x64xi32, #tpu.memory_space<hbm>> -> memref<32x64xi32, #tpu.memory_space<hbm>>
      tpu.enqueue_dma source(%dma_start3A_79 : memref<32x64xi32, #tpu.memory_space<hbm>>) target(%arg7 : memref<32x64xi32, #tpu.memory_space<vmem>>) target_semaphore(%run_scoped3A : memref<!tpu.dma_semaphore, #tpu.memory_space<semaphore_mem>>)
      %dma_wait3A_80 = arith.constant 0 : i32
      %dma_wait3A_81 = tpu.memref_slice %arg4[%mul3A_11, %dma_wait3A_80] : memref<5120x64xi32, #tpu.memory_space<hbm>> -> memref<32x64xi32, #tpu.memory_space<hbm>>
      %dma_wait3A_82 = arith.constant 0 : i32
      %dma_wait3A_83 = tpu.memref_slice %arg4[%mul3A_11, %dma_wait3A_82] : memref<5120x64xi32, #tpu.memory_space<hbm>> -> memref<32x64xi32, #tpu.memory_space<hbm>>
      tpu.wait_dma2 semaphore(%run_scoped3A : memref<!tpu.dma_semaphore, #tpu.memory_space<semaphore_mem>>) src(%dma_wait3A_83 : memref<32x64xi32, #tpu.memory_space<hbm>>) dst(%arg7 : memref<32x64xi32, #tpu.memory_space<vmem>>)
      tpu.yield
    }) : () -> ()
    %dma_start3A_12 = arith.constant 0 : i32
    %dma_start3A_13 = arith.constant 0 : i32
    %dma_start3A_14 = tpu.memref_slice %arg6[%dma_start3A_12, %dma_start3A_13] : memref<32x64xi32, #tpu.memory_space<vmem>> -> memref<1x64xi32, #tpu.memory_space<vmem>>
    %dma_start3A_15 = tpu.memref_squeeze %dma_start3A_14 : memref<1x64xi32, #tpu.memory_space<vmem>> -> memref<64xi32, #tpu.memory_space<vmem>>
    %dma_start3A_16 = arith.constant 0 : i32
    %dma_start3A_17 = arith.constant 0 : i32
    %dma_start3A_18 = tpu.memref_slice %arg2[%dma_start3A_16, %dma_start3A_17] : memref<10240x128xf32, #tpu.memory_space<hbm>> -> memref<10240x128xf32, #tpu.memory_space<hbm>>
    tpu.enqueue_indirect_dma source(%dma_start3A_18 : memref<10240x128xf32, #tpu.memory_space<hbm>>) target(%arg8 : memref<64x128xf32, #tpu.memory_space<vmem>>) offsets(%dma_start3A_15 : memref<64xi32, #tpu.memory_space<vmem>>) semaphore(%arg13 : memref<!tpu.dma_semaphore, #tpu.memory_space<semaphore_mem>>)
    %dma_start3A_19 = arith.constant 1 : i32
    %dma_start3A_20 = arith.constant 0 : i32
    %dma_start3A_21 = tpu.memref_slice %arg6[%dma_start3A_19, %dma_start3A_20] : memref<32x64xi32, #tpu.memory_space<vmem>> -> memref<1x64xi32, #tpu.memory_space<vmem>>
    %dma_start3A_22 = tpu.memref_squeeze %dma_start3A_21 : memref<1x64xi32, #tpu.memory_space<vmem>> -> memref<64xi32, #tpu.memory_space<vmem>>
    %dma_start3A_23 = arith.constant 0 : i32
    %dma_start3A_24 = arith.constant 0 : i32
    %dma_start3A_25 = tpu.memref_slice %arg2[%dma_start3A_23, %dma_start3A_24] : memref<10240x128xf32, #tpu.memory_space<hbm>> -> memref<10240x128xf32, #tpu.memory_space<hbm>>
    tpu.enqueue_indirect_dma source(%dma_start3A_25 : memref<10240x128xf32, #tpu.memory_space<hbm>>) target(%arg9 : memref<64x128xf32, #tpu.memory_space<vmem>>) offsets(%dma_start3A_22 : memref<64xi32, #tpu.memory_space<vmem>>) semaphore(%arg14 : memref<!tpu.dma_semaphore, #tpu.memory_space<semaphore_mem>>)
    %dma_start3A_26 = arith.constant 2 : i32
    %dma_start3A_27 = arith.constant 0 : i32
    %dma_start3A_28 = tpu.memref_slice %arg6[%dma_start3A_26, %dma_start3A_27] : memref<32x64xi32, #tpu.memory_space<vmem>> -> memref<1x64xi32, #tpu.memory_space<vmem>>
    %dma_start3A_29 = tpu.memref_squeeze %dma_start3A_28 : memref<1x64xi32, #tpu.memory_space<vmem>> -> memref<64xi32, #tpu.memory_space<vmem>>
    %dma_start3A_30 = arith.constant 0 : i32
    %dma_start3A_31 = arith.constant 0 : i32
    %dma_start3A_32 = tpu.memref_slice %arg2[%dma_start3A_30, %dma_start3A_31] : memref<10240x128xf32, #tpu.memory_space<hbm>> -> memref<10240x128xf32, #tpu.memory_space<hbm>>
    tpu.enqueue_indirect_dma source(%dma_start3A_32 : memref<10240x128xf32, #tpu.memory_space<hbm>>) target(%arg10 : memref<64x128xf32, #tpu.memory_space<vmem>>) offsets(%dma_start3A_29 : memref<64xi32, #tpu.memory_space<vmem>>) semaphore(%arg15 : memref<!tpu.dma_semaphore, #tpu.memory_space<semaphore_mem>>)
    %dma_start3A_33 = arith.constant 3 : i32
    %dma_start3A_34 = arith.constant 0 : i32
    %dma_start3A_35 = tpu.memref_slice %arg6[%dma_start3A_33, %dma_start3A_34] : memref<32x64xi32, #tpu.memory_space<vmem>> -> memref<1x64xi32, #tpu.memory_space<vmem>>
    %dma_start3A_36 = tpu.memref_squeeze %dma_start3A_35 : memref<1x64xi32, #tpu.memory_space<vmem>> -> memref<64xi32, #tpu.memory_space<vmem>>
    %dma_start3A_37 = arith.constant 0 : i32
    %dma_start3A_38 = arith.constant 0 : i32
    %dma_start3A_39 = tpu.memref_slice %arg2[%dma_start3A_37, %dma_start3A_38] : memref<10240x128xf32, #tpu.memory_space<hbm>> -> memref<10240x128xf32, #tpu.memory_space<hbm>>
    tpu.enqueue_indirect_dma source(%dma_start3A_39 : memref<10240x128xf32, #tpu.memory_space<hbm>>) target(%arg11 : memref<64x128xf32, #tpu.memory_space<vmem>>) offsets(%dma_start3A_36 : memref<64xi32, #tpu.memory_space<vmem>>) semaphore(%arg16 : memref<!tpu.dma_semaphore, #tpu.memory_space<semaphore_mem>>)
    %dma_wait3A = arith.constant 0 : i32
    %dma_wait3A_40 = tpu.memref_slice %arg12[%mul3A_4, %dma_wait3A] : memref<10240x128xf32, #tpu.memory_space<vmem_shared>> -> memref<640x128xf32, #tpu.memory_space<vmem_shared>>
    %dma_wait3A_41 = arith.constant 0 : i32
    %dma_wait3A_42 = tpu.memref_slice %arg2[%mul3A_2, %dma_wait3A_41] : memref<10240x128xf32, #tpu.memory_space<hbm>> -> memref<640x128xf32, #tpu.memory_space<hbm>>
    tpu.wait_dma2 semaphore(%arg21 : memref<!tpu.dma_semaphore, #tpu.memory_space<semaphore_mem>>) src(%dma_wait3A_42 : memref<640x128xf32, #tpu.memory_space<hbm>>) dst(%dma_wait3A_40 : memref<640x128xf32, #tpu.memory_space<vmem_shared>>)
    %barrier3A = arith.constant 0 : index
    tpu.barrier barrier_id(%barrier3A)
    %scan3A = arith.constant 0 : i32
    %scan3A_43 = arith.constant 5 : i32
    %scan3A_44 = arith.addi %scan3A, %scan3A_43 : i32
    %scan3A_45 = arith.constant 1 : i32
    scf.for %scan3A_76 = %scan3A to %scan3A_44 step %scan3A_45  : i32 {
      %mul3A_77 = arith.constant 160 : i32
      %mul3A_78 = arith.muli %add3A, %mul3A_77 : i32
      %mul3A_79 = arith.constant 32 : i32
      %mul3A_80 = arith.muli %scan3A_76, %mul3A_79 : i32
      %add3A_81 = arith.addi %mul3A_78, %mul3A_80 : i32
      %gt3A = arith.constant 0 : i32
      %gt3A_82 = arith.cmpi sgt, %scan3A_76, %gt3A : i32
      %convert_element_type3A = arith.extui %gt3A_82 : i1 to i32
      %cond3A = arith.constant 0 : i32
      %cond3A_83 = arith.cmpi ne, %convert_element_type3A, %cond3A : i32
      scf.if %cond3A_83 {
        "tpu.region"() ({
          %run_scoped3A = tpu.sem_alloc : memref<!tpu.dma_semaphore, #tpu.memory_space<semaphore_mem>>
          %dma_start3A_89 = arith.constant 0 : i32
          %dma_start3A_90 = tpu.memref_slice %arg3[%add3A_81, %dma_start3A_89] : memref<5120x64xi32, #tpu.memory_space<hbm>> -> memref<32x64xi32, #tpu.memory_space<hbm>>
          %dma_start3A_91 = arith.constant 0 : i32
          %dma_start3A_92 = tpu.memref_slice %arg3[%add3A_81, %dma_start3A_91] : memref<5120x64xi32, #tpu.memory_space<hbm>> -> memref<32x64xi32, #tpu.memory_space<hbm>>
          tpu.enqueue_dma source(%dma_start3A_92 : memref<32x64xi32, #tpu.memory_space<hbm>>) target(%arg6 : memref<32x64xi32, #tpu.memory_space<vmem>>) target_semaphore(%run_scoped3A : memref<!tpu.dma_semaphore, #tpu.memory_space<semaphore_mem>>)
          %dma_wait3A_93 = arith.constant 0 : i32
          %dma_wait3A_94 = tpu.memref_slice %arg3[%add3A_81, %dma_wait3A_93] : memref<5120x64xi32, #tpu.memory_space<hbm>> -> memref<32x64xi32, #tpu.memory_space<hbm>>
          %dma_wait3A_95 = arith.constant 0 : i32
          %dma_wait3A_96 = tpu.memref_slice %arg3[%add3A_81, %dma_wait3A_95] : memref<5120x64xi32, #tpu.memory_space<hbm>> -> memref<32x64xi32, #tpu.memory_space<hbm>>
          tpu.wait_dma2 semaphore(%run_scoped3A : memref<!tpu.dma_semaphore, #tpu.memory_space<semaphore_mem>>) src(%dma_wait3A_96 : memref<32x64xi32, #tpu.memory_space<hbm>>) dst(%arg6 : memref<32x64xi32, #tpu.memory_space<vmem>>)
          tpu.yield
        }) : () -> ()
        "tpu.region"() ({
          %run_scoped3A = tpu.sem_alloc : memref<!tpu.dma_semaphore, #tpu.memory_space<semaphore_mem>>
          %dma_start3A_89 = arith.constant 0 : i32
          %dma_start3A_90 = tpu.memref_slice %arg4[%add3A_81, %dma_start3A_89] : memref<5120x64xi32, #tpu.memory_space<hbm>> -> memref<32x64xi32, #tpu.memory_space<hbm>>
          %dma_start3A_91 = arith.constant 0 : i32
          %dma_start3A_92 = tpu.memref_slice %arg4[%add3A_81, %dma_start3A_91] : memref<5120x64xi32, #tpu.memory_space<hbm>> -> memref<32x64xi32, #tpu.memory_space<hbm>>
          tpu.enqueue_dma source(%dma_start3A_92 : memref<32x64xi32, #tpu.memory_space<hbm>>) target(%arg7 : memref<32x64xi32, #tpu.memory_space<vmem>>) target_semaphore(%run_scoped3A : memref<!tpu.dma_semaphore, #tpu.memory_space<semaphore_mem>>)
          %dma_wait3A_93 = arith.constant 0 : i32
          %dma_wait3A_94 = tpu.memref_slice %arg4[%add3A_81, %dma_wait3A_93] : memref<5120x64xi32, #tpu.memory_space<hbm>> -> memref<32x64xi32, #tpu.memory_space<hbm>>
          %dma_wait3A_95 = arith.constant 0 : i32
          %dma_wait3A_96 = tpu.memref_slice %arg4[%add3A_81, %dma_wait3A_95] : memref<5120x64xi32, #tpu.memory_space<hbm>> -> memref<32x64xi32, #tpu.memory_space<hbm>>
          tpu.wait_dma2 semaphore(%run_scoped3A : memref<!tpu.dma_semaphore, #tpu.memory_space<semaphore_mem>>) src(%dma_wait3A_96 : memref<32x64xi32, #tpu.memory_space<hbm>>) dst(%arg7 : memref<32x64xi32, #tpu.memory_space<vmem>>)
          tpu.yield
        }) : () -> ()
      } else {
      }
      %scan3A_84 = arith.constant 0 : i32
      %scan3A_85 = arith.constant 8 : i32
      %scan3A_86 = arith.addi %scan3A_84, %scan3A_85 : i32
      %scan3A_87 = arith.constant 1 : i32
      scf.for %scan3A_89 = %scan3A_84 to %scan3A_86 step %scan3A_87  : i32 {
        %gt3A_90 = arith.constant 0 : i32
        %gt3A_91 = arith.cmpi sgt, %scan3A_76, %gt3A_90 : i32
        %gt3A_92 = arith.constant 0 : i32
        %gt3A_93 = arith.cmpi sgt, %scan3A_89, %gt3A_92 : i32
        %or3A = arith.ori %gt3A_91, %gt3A_93 : i1
        %convert_element_type3A_94 = arith.extui %or3A : i1 to i32
        %cond3A_95 = arith.constant 0 : i32
        %cond3A_96 = arith.cmpi ne, %convert_element_type3A_94, %cond3A_95 : i32
        scf.if %cond3A_96 {
          %dma_wait3A_186 = arith.constant 0 : i32
          %dma_wait3A_187 = arith.constant 0 : i32
          %dma_wait3A_188 = tpu.memref_slice %arg12[%dma_wait3A_186, %dma_wait3A_187] : memref<10240x128xf32, #tpu.memory_space<vmem_shared>> -> memref<64x128xf32, #tpu.memory_space<vmem_shared>>
          %dma_wait3A_189 = arith.constant 0 : i32
          %dma_wait3A_190 = arith.constant 0 : i32
          %dma_wait3A_191 = tpu.memref_slice %arg12[%dma_wait3A_189, %dma_wait3A_190] : memref<10240x128xf32, #tpu.memory_space<vmem_shared>> -> memref<64x128xf32, #tpu.memory_space<vmem_shared>>
          tpu.wait_dma2 semaphore(%arg17 : memref<!tpu.dma_semaphore, #tpu.memory_space<semaphore_mem>>) src(%arg8 : memref<64x128xf32, #tpu.memory_space<vmem>>) dst(%dma_wait3A_191 : memref<64x128xf32, #tpu.memory_space<vmem_shared>>)
          %mul3A_192 = arith.constant 4 : i32
          %mul3A_193 = arith.muli %scan3A_89, %mul3A_192 : i32
          %add3A_194 = arith.constant 0 : i32
          %add3A_195 = arith.addi %mul3A_193, %add3A_194 : i32
          %dma_start3A_196 = arith.constant 0 : i32
          %dma_start3A_197 = tpu.memref_slice %arg6[%add3A_195, %dma_start3A_196] : memref<32x64xi32, #tpu.memory_space<vmem>> -> memref<1x64xi32, #tpu.memory_space<vmem>>
          %dma_start3A_198 = tpu.memref_squeeze %dma_start3A_197 : memref<1x64xi32, #tpu.memory_space<vmem>> -> memref<64xi32, #tpu.memory_space<vmem>>
          %dma_start3A_199 = arith.constant 0 : i32
          %dma_start3A_200 = arith.constant 0 : i32
          %dma_start3A_201 = tpu.memref_slice %arg2[%dma_start3A_199, %dma_start3A_200] : memref<10240x128xf32, #tpu.memory_space<hbm>> -> memref<10240x128xf32, #tpu.memory_space<hbm>>
          tpu.enqueue_indirect_dma source(%dma_start3A_201 : memref<10240x128xf32, #tpu.memory_space<hbm>>) target(%arg8 : memref<64x128xf32, #tpu.memory_space<vmem>>) offsets(%dma_start3A_198 : memref<64xi32, #tpu.memory_space<vmem>>) semaphore(%arg13 : memref<!tpu.dma_semaphore, #tpu.memory_space<semaphore_mem>>)
        } else {
        }
        %mul3A_97 = arith.constant 4 : i32
        %mul3A_98 = arith.muli %scan3A_89, %mul3A_97 : i32
        %add3A_99 = arith.constant 0 : i32
        %add3A_100 = arith.addi %mul3A_98, %add3A_99 : i32
        %convert_element_type3A_101 = arith.extui %or3A : i1 to i32
        %cond3A_102 = arith.constant 0 : i32
        %cond3A_103 = arith.cmpi ne, %convert_element_type3A_101, %cond3A_102 : i32
        scf.if %cond3A_103 {
          %dma_wait3A_186 = arith.constant 0 : i32
          %dma_wait3A_187 = arith.constant 0 : i32
          %dma_wait3A_188 = tpu.memref_slice %arg12[%dma_wait3A_186, %dma_wait3A_187] : memref<10240x128xf32, #tpu.memory_space<vmem_shared>> -> memref<64x128xf32, #tpu.memory_space<vmem_shared>>
          %dma_wait3A_189 = arith.constant 0 : i32
          %dma_wait3A_190 = arith.constant 0 : i32
          %dma_wait3A_191 = tpu.memref_slice %arg12[%dma_wait3A_189, %dma_wait3A_190] : memref<10240x128xf32, #tpu.memory_space<vmem_shared>> -> memref<64x128xf32, #tpu.memory_space<vmem_shared>>
          tpu.wait_dma2 semaphore(%arg18 : memref<!tpu.dma_semaphore, #tpu.memory_space<semaphore_mem>>) src(%arg9 : memref<64x128xf32, #tpu.memory_space<vmem>>) dst(%dma_wait3A_191 : memref<64x128xf32, #tpu.memory_space<vmem_shared>>)
          %mul3A_192 = arith.constant 4 : i32
          %mul3A_193 = arith.muli %scan3A_89, %mul3A_192 : i32
          %add3A_194 = arith.constant 1 : i32
          %add3A_195 = arith.addi %mul3A_193, %add3A_194 : i32
          %dma_start3A_196 = arith.constant 0 : i32
          %dma_start3A_197 = tpu.memref_slice %arg6[%add3A_195, %dma_start3A_196] : memref<32x64xi32, #tpu.memory_space<vmem>> -> memref<1x64xi32, #tpu.memory_space<vmem>>
          %dma_start3A_198 = tpu.memref_squeeze %dma_start3A_197 : memref<1x64xi32, #tpu.memory_space<vmem>> -> memref<64xi32, #tpu.memory_space<vmem>>
          %dma_start3A_199 = arith.constant 0 : i32
          %dma_start3A_200 = arith.constant 0 : i32
          %dma_start3A_201 = tpu.memref_slice %arg2[%dma_start3A_199, %dma_start3A_200] : memref<10240x128xf32, #tpu.memory_space<hbm>> -> memref<10240x128xf32, #tpu.memory_space<hbm>>
          tpu.enqueue_indirect_dma source(%dma_start3A_201 : memref<10240x128xf32, #tpu.memory_space<hbm>>) target(%arg9 : memref<64x128xf32, #tpu.memory_space<vmem>>) offsets(%dma_start3A_198 : memref<64xi32, #tpu.memory_space<vmem>>) semaphore(%arg14 : memref<!tpu.dma_semaphore, #tpu.memory_space<semaphore_mem>>)
        } else {
        }
        %mul3A_104 = arith.constant 4 : i32
        %mul3A_105 = arith.muli %scan3A_89, %mul3A_104 : i32
        %add3A_106 = arith.constant 1 : i32
        %add3A_107 = arith.addi %mul3A_105, %add3A_106 : i32
        %convert_element_type3A_108 = arith.extui %or3A : i1 to i32
        %cond3A_109 = arith.constant 0 : i32
        %cond3A_110 = arith.cmpi ne, %convert_element_type3A_108, %cond3A_109 : i32
        scf.if %cond3A_110 {
          %dma_wait3A_186 = arith.constant 0 : i32
          %dma_wait3A_187 = arith.constant 0 : i32
          %dma_wait3A_188 = tpu.memref_slice %arg12[%dma_wait3A_186, %dma_wait3A_187] : memref<10240x128xf32, #tpu.memory_space<vmem_shared>> -> memref<64x128xf32, #tpu.memory_space<vmem_shared>>
          %dma_wait3A_189 = arith.constant 0 : i32
          %dma_wait3A_190 = arith.constant 0 : i32
          %dma_wait3A_191 = tpu.memref_slice %arg12[%dma_wait3A_189, %dma_wait3A_190] : memref<10240x128xf32, #tpu.memory_space<vmem_shared>> -> memref<64x128xf32, #tpu.memory_space<vmem_shared>>
          tpu.wait_dma2 semaphore(%arg19 : memref<!tpu.dma_semaphore, #tpu.memory_space<semaphore_mem>>) src(%arg10 : memref<64x128xf32, #tpu.memory_space<vmem>>) dst(%dma_wait3A_191 : memref<64x128xf32, #tpu.memory_space<vmem_shared>>)
          %mul3A_192 = arith.constant 4 : i32
          %mul3A_193 = arith.muli %scan3A_89, %mul3A_192 : i32
          %add3A_194 = arith.constant 2 : i32
          %add3A_195 = arith.addi %mul3A_193, %add3A_194 : i32
          %dma_start3A_196 = arith.constant 0 : i32
          %dma_start3A_197 = tpu.memref_slice %arg6[%add3A_195, %dma_start3A_196] : memref<32x64xi32, #tpu.memory_space<vmem>> -> memref<1x64xi32, #tpu.memory_space<vmem>>
          %dma_start3A_198 = tpu.memref_squeeze %dma_start3A_197 : memref<1x64xi32, #tpu.memory_space<vmem>> -> memref<64xi32, #tpu.memory_space<vmem>>
          %dma_start3A_199 = arith.constant 0 : i32
          %dma_start3A_200 = arith.constant 0 : i32
          %dma_start3A_201 = tpu.memref_slice %arg2[%dma_start3A_199, %dma_start3A_200] : memref<10240x128xf32, #tpu.memory_space<hbm>> -> memref<10240x128xf32, #tpu.memory_space<hbm>>
          tpu.enqueue_indirect_dma source(%dma_start3A_201 : memref<10240x128xf32, #tpu.memory_space<hbm>>) target(%arg10 : memref<64x128xf32, #tpu.memory_space<vmem>>) offsets(%dma_start3A_198 : memref<64xi32, #tpu.memory_space<vmem>>) semaphore(%arg15 : memref<!tpu.dma_semaphore, #tpu.memory_space<semaphore_mem>>)
        } else {
        }
        %mul3A_111 = arith.constant 4 : i32
        %mul3A_112 = arith.muli %scan3A_89, %mul3A_111 : i32
        %add3A_113 = arith.constant 2 : i32
        %add3A_114 = arith.addi %mul3A_112, %add3A_113 : i32
        %convert_element_type3A_115 = arith.extui %or3A : i1 to i32
        %cond3A_116 = arith.constant 0 : i32
        %cond3A_117 = arith.cmpi ne, %convert_element_type3A_115, %cond3A_116 : i32
        scf.if %cond3A_117 {
          %dma_wait3A_186 = arith.constant 0 : i32
          %dma_wait3A_187 = arith.constant 0 : i32
          %dma_wait3A_188 = tpu.memref_slice %arg12[%dma_wait3A_186, %dma_wait3A_187] : memref<10240x128xf32, #tpu.memory_space<vmem_shared>> -> memref<64x128xf32, #tpu.memory_space<vmem_shared>>
          %dma_wait3A_189 = arith.constant 0 : i32
          %dma_wait3A_190 = arith.constant 0 : i32
          %dma_wait3A_191 = tpu.memref_slice %arg12[%dma_wait3A_189, %dma_wait3A_190] : memref<10240x128xf32, #tpu.memory_space<vmem_shared>> -> memref<64x128xf32, #tpu.memory_space<vmem_shared>>
          tpu.wait_dma2 semaphore(%arg20 : memref<!tpu.dma_semaphore, #tpu.memory_space<semaphore_mem>>) src(%arg11 : memref<64x128xf32, #tpu.memory_space<vmem>>) dst(%dma_wait3A_191 : memref<64x128xf32, #tpu.memory_space<vmem_shared>>)
          %mul3A_192 = arith.constant 4 : i32
          %mul3A_193 = arith.muli %scan3A_89, %mul3A_192 : i32
          %add3A_194 = arith.constant 3 : i32
          %add3A_195 = arith.addi %mul3A_193, %add3A_194 : i32
          %dma_start3A_196 = arith.constant 0 : i32
          %dma_start3A_197 = tpu.memref_slice %arg6[%add3A_195, %dma_start3A_196] : memref<32x64xi32, #tpu.memory_space<vmem>> -> memref<1x64xi32, #tpu.memory_space<vmem>>
          %dma_start3A_198 = tpu.memref_squeeze %dma_start3A_197 : memref<1x64xi32, #tpu.memory_space<vmem>> -> memref<64xi32, #tpu.memory_space<vmem>>
          %dma_start3A_199 = arith.constant 0 : i32
          %dma_start3A_200 = arith.constant 0 : i32
          %dma_start3A_201 = tpu.memref_slice %arg2[%dma_start3A_199, %dma_start3A_200] : memref<10240x128xf32, #tpu.memory_space<hbm>> -> memref<10240x128xf32, #tpu.memory_space<hbm>>
          tpu.enqueue_indirect_dma source(%dma_start3A_201 : memref<10240x128xf32, #tpu.memory_space<hbm>>) target(%arg11 : memref<64x128xf32, #tpu.memory_space<vmem>>) offsets(%dma_start3A_198 : memref<64xi32, #tpu.memory_space<vmem>>) semaphore(%arg16 : memref<!tpu.dma_semaphore, #tpu.memory_space<semaphore_mem>>)
        } else {
        }
        %mul3A_118 = arith.constant 4 : i32
        %mul3A_119 = arith.muli %scan3A_89, %mul3A_118 : i32
        %add3A_120 = arith.constant 3 : i32
        %add3A_121 = arith.addi %mul3A_119, %add3A_120 : i32
        %dma_wait3A_122 = arith.constant 0 : i32
        %dma_wait3A_123 = tpu.memref_slice %arg6[%add3A_100, %dma_wait3A_122] : memref<32x64xi32, #tpu.memory_space<vmem>> -> memref<1x64xi32, #tpu.memory_space<vmem>>
        %dma_wait3A_124 = tpu.memref_squeeze %dma_wait3A_123 : memref<1x64xi32, #tpu.memory_space<vmem>> -> memref<64xi32, #tpu.memory_space<vmem>>
        %dma_wait3A_125 = arith.constant 0 : i32
        %dma_wait3A_126 = arith.constant 0 : i32
        %dma_wait3A_127 = tpu.memref_slice %arg2[%dma_wait3A_125, %dma_wait3A_126] : memref<10240x128xf32, #tpu.memory_space<hbm>> -> memref<10240x128xf32, #tpu.memory_space<hbm>>
        tpu.wait_indirect_dma semaphore(%arg13 : memref<!tpu.dma_semaphore, #tpu.memory_space<semaphore_mem>>) src(%dma_wait3A_127 : memref<10240x128xf32, #tpu.memory_space<hbm>>) dst(%arg8 : memref<64x128xf32, #tpu.memory_space<vmem>>)
        %mul3A_128 = arith.constant 4 : i32
        %mul3A_129 = arith.muli %scan3A_89, %mul3A_128 : i32
        %add3A_130 = arith.constant 0 : i32
        %add3A_131 = arith.addi %mul3A_129, %add3A_130 : i32
        %dma_start3A_132 = arith.constant 0 : i32
        %dma_start3A_133 = tpu.memref_slice %arg7[%add3A_131, %dma_start3A_132] : memref<32x64xi32, #tpu.memory_space<vmem>> -> memref<1x64xi32, #tpu.memory_space<vmem>>
        %dma_start3A_134 = tpu.memref_squeeze %dma_start3A_133 : memref<1x64xi32, #tpu.memory_space<vmem>> -> memref<64xi32, #tpu.memory_space<vmem>>
        %dma_start3A_135 = arith.constant 0 : i32
        %dma_start3A_136 = arith.constant 0 : i32
        %dma_start3A_137 = tpu.memref_slice %arg12[%dma_start3A_135, %dma_start3A_136] : memref<10240x128xf32, #tpu.memory_space<vmem_shared>> -> memref<10240x128xf32, #tpu.memory_space<vmem_shared>>
        tpu.enqueue_indirect_dma source(%arg8 : memref<64x128xf32, #tpu.memory_space<vmem>>) target(%dma_start3A_137 : memref<10240x128xf32, #tpu.memory_space<vmem_shared>>) offsets(%dma_start3A_134 : memref<64xi32, #tpu.memory_space<vmem>>) semaphore(%arg17 : memref<!tpu.dma_semaphore, #tpu.memory_space<semaphore_mem>>) {add = true}
        %dma_wait3A_138 = arith.constant 0 : i32
        %dma_wait3A_139 = tpu.memref_slice %arg6[%add3A_107, %dma_wait3A_138] : memref<32x64xi32, #tpu.memory_space<vmem>> -> memref<1x64xi32, #tpu.memory_space<vmem>>
        %dma_wait3A_140 = tpu.memref_squeeze %dma_wait3A_139 : memref<1x64xi32, #tpu.memory_space<vmem>> -> memref<64xi32, #tpu.memory_space<vmem>>
        %dma_wait3A_141 = arith.constant 0 : i32
        %dma_wait3A_142 = arith.constant 0 : i32
        %dma_wait3A_143 = tpu.memref_slice %arg2[%dma_wait3A_141, %dma_wait3A_142] : memref<10240x128xf32, #tpu.memory_space<hbm>> -> memref<10240x128xf32, #tpu.memory_space<hbm>>
        tpu.wait_indirect_dma semaphore(%arg14 : memref<!tpu.dma_semaphore, #tpu.memory_space<semaphore_mem>>) src(%dma_wait3A_143 : memref<10240x128xf32, #tpu.memory_space<hbm>>) dst(%arg9 : memref<64x128xf32, #tpu.memory_space<vmem>>)
        %mul3A_144 = arith.constant 4 : i32
        %mul3A_145 = arith.muli %scan3A_89, %mul3A_144 : i32
        %add3A_146 = arith.constant 1 : i32
        %add3A_147 = arith.addi %mul3A_145, %add3A_146 : i32
        %dma_start3A_148 = arith.constant 0 : i32
        %dma_start3A_149 = tpu.memref_slice %arg7[%add3A_147, %dma_start3A_148] : memref<32x64xi32, #tpu.memory_space<vmem>> -> memref<1x64xi32, #tpu.memory_space<vmem>>
        %dma_start3A_150 = tpu.memref_squeeze %dma_start3A_149 : memref<1x64xi32, #tpu.memory_space<vmem>> -> memref<64xi32, #tpu.memory_space<vmem>>
        %dma_start3A_151 = arith.constant 0 : i32
        %dma_start3A_152 = arith.constant 0 : i32
        %dma_start3A_153 = tpu.memref_slice %arg12[%dma_start3A_151, %dma_start3A_152] : memref<10240x128xf32, #tpu.memory_space<vmem_shared>> -> memref<10240x128xf32, #tpu.memory_space<vmem_shared>>
        tpu.enqueue_indirect_dma source(%arg9 : memref<64x128xf32, #tpu.memory_space<vmem>>) target(%dma_start3A_153 : memref<10240x128xf32, #tpu.memory_space<vmem_shared>>) offsets(%dma_start3A_150 : memref<64xi32, #tpu.memory_space<vmem>>) semaphore(%arg18 : memref<!tpu.dma_semaphore, #tpu.memory_space<semaphore_mem>>) {add = true}
        %dma_wait3A_154 = arith.constant 0 : i32
        %dma_wait3A_155 = tpu.memref_slice %arg6[%add3A_114, %dma_wait3A_154] : memref<32x64xi32, #tpu.memory_space<vmem>> -> memref<1x64xi32, #tpu.memory_space<vmem>>
        %dma_wait3A_156 = tpu.memref_squeeze %dma_wait3A_155 : memref<1x64xi32, #tpu.memory_space<vmem>> -> memref<64xi32, #tpu.memory_space<vmem>>
        %dma_wait3A_157 = arith.constant 0 : i32
        %dma_wait3A_158 = arith.constant 0 : i32
        %dma_wait3A_159 = tpu.memref_slice %arg2[%dma_wait3A_157, %dma_wait3A_158] : memref<10240x128xf32, #tpu.memory_space<hbm>> -> memref<10240x128xf32, #tpu.memory_space<hbm>>
        tpu.wait_indirect_dma semaphore(%arg15 : memref<!tpu.dma_semaphore, #tpu.memory_space<semaphore_mem>>) src(%dma_wait3A_159 : memref<10240x128xf32, #tpu.memory_space<hbm>>) dst(%arg10 : memref<64x128xf32, #tpu.memory_space<vmem>>)
        %mul3A_160 = arith.constant 4 : i32
        %mul3A_161 = arith.muli %scan3A_89, %mul3A_160 : i32
        %add3A_162 = arith.constant 2 : i32
        %add3A_163 = arith.addi %mul3A_161, %add3A_162 : i32
        %dma_start3A_164 = arith.constant 0 : i32
        %dma_start3A_165 = tpu.memref_slice %arg7[%add3A_163, %dma_start3A_164] : memref<32x64xi32, #tpu.memory_space<vmem>> -> memref<1x64xi32, #tpu.memory_space<vmem>>
        %dma_start3A_166 = tpu.memref_squeeze %dma_start3A_165 : memref<1x64xi32, #tpu.memory_space<vmem>> -> memref<64xi32, #tpu.memory_space<vmem>>
        %dma_start3A_167 = arith.constant 0 : i32
        %dma_start3A_168 = arith.constant 0 : i32
        %dma_start3A_169 = tpu.memref_slice %arg12[%dma_start3A_167, %dma_start3A_168] : memref<10240x128xf32, #tpu.memory_space<vmem_shared>> -> memref<10240x128xf32, #tpu.memory_space<vmem_shared>>
        tpu.enqueue_indirect_dma source(%arg10 : memref<64x128xf32, #tpu.memory_space<vmem>>) target(%dma_start3A_169 : memref<10240x128xf32, #tpu.memory_space<vmem_shared>>) offsets(%dma_start3A_166 : memref<64xi32, #tpu.memory_space<vmem>>) semaphore(%arg19 : memref<!tpu.dma_semaphore, #tpu.memory_space<semaphore_mem>>) {add = true}
        %dma_wait3A_170 = arith.constant 0 : i32
        %dma_wait3A_171 = tpu.memref_slice %arg6[%add3A_121, %dma_wait3A_170] : memref<32x64xi32, #tpu.memory_space<vmem>> -> memref<1x64xi32, #tpu.memory_space<vmem>>
        %dma_wait3A_172 = tpu.memref_squeeze %dma_wait3A_171 : memref<1x64xi32, #tpu.memory_space<vmem>> -> memref<64xi32, #tpu.memory_space<vmem>>
        %dma_wait3A_173 = arith.constant 0 : i32
        %dma_wait3A_174 = arith.constant 0 : i32
        %dma_wait3A_175 = tpu.memref_slice %arg2[%dma_wait3A_173, %dma_wait3A_174] : memref<10240x128xf32, #tpu.memory_space<hbm>> -> memref<10240x128xf32, #tpu.memory_space<hbm>>
        tpu.wait_indirect_dma semaphore(%arg16 : memref<!tpu.dma_semaphore, #tpu.memory_space<semaphore_mem>>) src(%dma_wait3A_175 : memref<10240x128xf32, #tpu.memory_space<hbm>>) dst(%arg11 : memref<64x128xf32, #tpu.memory_space<vmem>>)
        %mul3A_176 = arith.constant 4 : i32
        %mul3A_177 = arith.muli %scan3A_89, %mul3A_176 : i32
        %add3A_178 = arith.constant 3 : i32
        %add3A_179 = arith.addi %mul3A_177, %add3A_178 : i32
        %dma_start3A_180 = arith.constant 0 : i32
        %dma_start3A_181 = tpu.memref_slice %arg7[%add3A_179, %dma_start3A_180] : memref<32x64xi32, #tpu.memory_space<vmem>> -> memref<1x64xi32, #tpu.memory_space<vmem>>
        %dma_start3A_182 = tpu.memref_squeeze %dma_start3A_181 : memref<1x64xi32, #tpu.memory_space<vmem>> -> memref<64xi32, #tpu.memory_space<vmem>>
        %dma_start3A_183 = arith.constant 0 : i32
        %dma_start3A_184 = arith.constant 0 : i32
        %dma_start3A_185 = tpu.memref_slice %arg12[%dma_start3A_183, %dma_start3A_184] : memref<10240x128xf32, #tpu.memory_space<vmem_shared>> -> memref<10240x128xf32, #tpu.memory_space<vmem_shared>>
        tpu.enqueue_indirect_dma source(%arg11 : memref<64x128xf32, #tpu.memory_space<vmem>>) target(%dma_start3A_185 : memref<10240x128xf32, #tpu.memory_space<vmem_shared>>) offsets(%dma_start3A_182 : memref<64xi32, #tpu.memory_space<vmem>>) semaphore(%arg20 : memref<!tpu.dma_semaphore, #tpu.memory_space<semaphore_mem>>) {add = true}
      }
      %scan3A_88 = arith.constant 8 : i32
    }
    %scan3A_46 = arith.constant 5 : i32
    %dma_wait3A_47 = arith.constant 0 : i32
    %dma_wait3A_48 = arith.constant 0 : i32
    %dma_wait3A_49 = tpu.memref_slice %arg12[%dma_wait3A_47, %dma_wait3A_48] : memref<10240x128xf32, #tpu.memory_space<vmem_shared>> -> memref<64x128xf32, #tpu.memory_space<vmem_shared>>
    %dma_wait3A_50 = arith.constant 0 : i32
    %dma_wait3A_51 = arith.constant 0 : i32
    %dma_wait3A_52 = tpu.memref_slice %arg12[%dma_wait3A_50, %dma_wait3A_51] : memref<10240x128xf32, #tpu.memory_space<vmem_shared>> -> memref<64x128xf32, #tpu.memory_space<vmem_shared>>
    tpu.wait_dma2 semaphore(%arg17 : memref<!tpu.dma_semaphore, #tpu.memory_space<semaphore_mem>>) src(%arg8 : memref<64x128xf32, #tpu.memory_space<vmem>>) dst(%dma_wait3A_52 : memref<64x128xf32, #tpu.memory_space<vmem_shared>>)
    %dma_wait3A_53 = arith.constant 0 : i32
    %dma_wait3A_54 = arith.constant 0 : i32
    %dma_wait3A_55 = tpu.memref_slice %arg12[%dma_wait3A_53, %dma_wait3A_54] : memref<10240x128xf32, #tpu.memory_space<vmem_shared>> -> memref<64x128xf32, #tpu.memory_space<vmem_shared>>
    %dma_wait3A_56 = arith.constant 0 : i32
    %dma_wait3A_57 = arith.constant 0 : i32
    %dma_wait3A_58 = tpu.memref_slice %arg12[%dma_wait3A_56, %dma_wait3A_57] : memref<10240x128xf32, #tpu.memory_space<vmem_shared>> -> memref<64x128xf32, #tpu.memory_space<vmem_shared>>
    tpu.wait_dma2 semaphore(%arg18 : memref<!tpu.dma_semaphore, #tpu.memory_space<semaphore_mem>>) src(%arg9 : memref<64x128xf32, #tpu.memory_space<vmem>>) dst(%dma_wait3A_58 : memref<64x128xf32, #tpu.memory_space<vmem_shared>>)
    %dma_wait3A_59 = arith.constant 0 : i32
    %dma_wait3A_60 = arith.constant 0 : i32
    %dma_wait3A_61 = tpu.memref_slice %arg12[%dma_wait3A_59, %dma_wait3A_60] : memref<10240x128xf32, #tpu.memory_space<vmem_shared>> -> memref<64x128xf32, #tpu.memory_space<vmem_shared>>
    %dma_wait3A_62 = arith.constant 0 : i32
    %dma_wait3A_63 = arith.constant 0 : i32
    %dma_wait3A_64 = tpu.memref_slice %arg12[%dma_wait3A_62, %dma_wait3A_63] : memref<10240x128xf32, #tpu.memory_space<vmem_shared>> -> memref<64x128xf32, #tpu.memory_space<vmem_shared>>
    tpu.wait_dma2 semaphore(%arg19 : memref<!tpu.dma_semaphore, #tpu.memory_space<semaphore_mem>>) src(%arg10 : memref<64x128xf32, #tpu.memory_space<vmem>>) dst(%dma_wait3A_64 : memref<64x128xf32, #tpu.memory_space<vmem_shared>>)
    %dma_wait3A_65 = arith.constant 0 : i32
    %dma_wait3A_66 = arith.constant 0 : i32
    %dma_wait3A_67 = tpu.memref_slice %arg12[%dma_wait3A_65, %dma_wait3A_66] : memref<10240x128xf32, #tpu.memory_space<vmem_shared>> -> memref<64x128xf32, #tpu.memory_space<vmem_shared>>
    %dma_wait3A_68 = arith.constant 0 : i32
    %dma_wait3A_69 = arith.constant 0 : i32
    %dma_wait3A_70 = tpu.memref_slice %arg12[%dma_wait3A_68, %dma_wait3A_69] : memref<10240x128xf32, #tpu.memory_space<vmem_shared>> -> memref<64x128xf32, #tpu.memory_space<vmem_shared>>
    tpu.wait_dma2 semaphore(%arg20 : memref<!tpu.dma_semaphore, #tpu.memory_space<semaphore_mem>>) src(%arg11 : memref<64x128xf32, #tpu.memory_space<vmem>>) dst(%dma_wait3A_70 : memref<64x128xf32, #tpu.memory_space<vmem_shared>>)
    %barrier3A_71 = arith.constant 0 : index
    tpu.barrier barrier_id(%barrier3A_71)
    %mul3A_72 = arith.constant 640 : i32
    %mul3A_73 = arith.muli %arg1, %mul3A_72 : i32
    %mul3A_74 = arith.constant 640 : i32
    %mul3A_75 = arith.muli %arg1, %mul3A_74 : i32
    "tpu.region"() ({
      %run_scoped3A = tpu.sem_alloc : memref<!tpu.dma_semaphore, #tpu.memory_space<semaphore_mem>>
      %dma_start3A_76 = arith.constant 0 : i32
      %dma_start3A_77 = tpu.memref_slice %arg5[%arg0, %mul3A_75, %dma_start3A_76] : memref<2x10240x128xf32, #tpu.memory_space<hbm>> -> memref<1x640x128xf32, #tpu.memory_space<hbm>>
      %dma_start3A_78 = tpu.memref_squeeze %dma_start3A_77 : memref<1x640x128xf32, #tpu.memory_space<hbm>> -> memref<640x128xf32, #tpu.memory_space<hbm>>
      %dma_start3A_79 = arith.constant 0 : i32
      %dma_start3A_80 = tpu.memref_slice %arg12[%mul3A_73, %dma_start3A_79] : memref<10240x128xf32, #tpu.memory_space<vmem_shared>> -> memref<640x128xf32, #tpu.memory_space<vmem_shared>>
      tpu.enqueue_dma source(%dma_start3A_80 : memref<640x128xf32, #tpu.memory_space<vmem_shared>>) target(%dma_start3A_78 : memref<640x128xf32, #tpu.memory_space<hbm>>) target_semaphore(%run_scoped3A : memref<!tpu.dma_semaphore, #tpu.memory_space<semaphore_mem>>)
      %dma_wait3A_81 = arith.constant 0 : i32
      %dma_wait3A_82 = tpu.memref_slice %arg5[%arg0, %mul3A_75, %dma_wait3A_81] : memref<2x10240x128xf32, #tpu.memory_space<hbm>> -> memref<1x640x128xf32, #tpu.memory_space<hbm>>
      %dma_wait3A_83 = tpu.memref_squeeze %dma_wait3A_82 : memref<1x640x128xf32, #tpu.memory_space<hbm>> -> memref<640x128xf32, #tpu.memory_space<hbm>>
      %dma_wait3A_84 = arith.constant 0 : i32
      %dma_wait3A_85 = tpu.memref_slice %arg12[%mul3A_73, %dma_wait3A_84] : memref<10240x128xf32, #tpu.memory_space<vmem_shared>> -> memref<640x128xf32, #tpu.memory_space<vmem_shared>>
      tpu.wait_dma2 semaphore(%run_scoped3A : memref<!tpu.dma_semaphore, #tpu.memory_space<semaphore_mem>>) src(%dma_wait3A_85 : memref<640x128xf32, #tpu.memory_space<vmem_shared>>) dst(%dma_wait3A_83 : memref<640x128xf32, #tpu.memory_space<hbm>>)
      tpu.yield
    }) : () -> ()
    return
  }
}

module attributes {stable_mosaic.version = 14 : i64} {
  func.func @_tc_prep_body(%arg0: i32, %arg1: memref<2x10000x1xf32, #tpu.memory_space<vmem>>, %arg2: memref<10000x128xf32, #tpu.memory_space<vmem>>, %arg3: memref<128x128xf32, #tpu.memory_space<vmem>>, %arg4: memref<10000x128xf32, #tpu.memory_space<vmem>>, %arg5: memref<10000x1xf32, #tpu.memory_space<vmem>>) attributes {dimension_semantics = [#tpu.dimension_semantics<arbitrary>], iteration_bounds = array<i64: 1>, scalar_prefetch = 0 : i64, scratch_operands = 0 : i64, tpu.core_type = #tpu.core_type<tc>, window_params = [{transform_indices = @transform_0, window_bounds = array<i64: 2, 10000, 1>}, {transform_indices = @transform_1, window_bounds = array<i64: 10000, 128>}, {pipeline_mode = #tpu.pipeline_mode<synchronous>, transform_indices = @transform_2, window_bounds = array<i64: 128, 128>}, {transform_indices = @transform_3, window_bounds = array<i64: 10000, 128>}, {transform_indices = @transform_4, window_bounds = array<i64: 10000, 1>}]} {
    %get3A = arith.constant 0 : index
    %get3A_0 = arith.constant 0 : index
    %get3A_1 = arith.constant 0 : index
    %get3A_2 = vector.load %arg1[%get3A, %get3A_0, %get3A_1] : memref<2x10000x1xf32, #tpu.memory_space<vmem>>, vector<1x10000x1xf32>
    %get3A_3 = vector.shape_cast %get3A_2 : vector<1x10000x1xf32> to vector<10000x1xf32>
    %get3A_4 = arith.constant 1 : index
    %get3A_5 = arith.constant 0 : index
    %get3A_6 = arith.constant 0 : index
    %get3A_7 = vector.load %arg1[%get3A_4, %get3A_5, %get3A_6] : memref<2x10000x1xf32, #tpu.memory_space<vmem>>, vector<1x10000x1xf32>
    %get3A_8 = vector.shape_cast %get3A_7 : vector<1x10000x1xf32> to vector<10000x1xf32>
    %add3A = arith.addf %get3A_3, %get3A_8 : vector<10000x1xf32>
    %add3A_9 = arith.constant 1.000000e+00 : f32
    %add3A_10 = vector.broadcast %add3A_9 : f32 to vector<10000x1xf32>
    %add3A_11 = arith.addf %add3A, %add3A_10 : vector<10000x1xf32>
    %rsqrt3A = math.rsqrt %add3A_11 : vector<10000x1xf32>
    %get3A_12 = arith.constant 0 : index
    %get3A_13 = arith.constant 0 : index
    %get3A_14 = vector.load %arg2[%get3A_12, %get3A_13] : memref<10000x128xf32, #tpu.memory_space<vmem>>, vector<10000x128xf32>
    %get3A_15 = arith.constant 0 : index
    %get3A_16 = arith.constant 0 : index
    %get3A_17 = vector.load %arg3[%get3A_15, %get3A_16] : memref<128x128xf32, #tpu.memory_space<vmem>>, vector<128x128xf32>
    %dot_general3A = arith.constant dense<0.000000e+00> : vector<10000x128xf32>
    %dot_general3A_18 = tpu.matmul %get3A_14, %get3A_17, %dot_general3A {dimension_numbers = #tpu.dot_dimension_numbers<[1], [0], [0], [1], [0, 0, 1, 1], [], []>, transpose_lhs_hint = false} : vector<10000x128xf32>, vector<128x128xf32>, vector<10000x128xf32> -> vector<10000x128xf32>
    %mul3A = vector.broadcast %rsqrt3A : vector<10000x1xf32> to vector<10000x128xf32>
    %mul3A_19 = arith.mulf %dot_general3A_18, %mul3A : vector<10000x128xf32>
    %swap3A = arith.constant 0 : index
    %swap3A_20 = arith.constant 0 : index
    %swap3A_21 = vector.load %arg4[%swap3A, %swap3A_20] : memref<10000x128xf32, #tpu.memory_space<vmem>>, vector<10000x128xf32>
    tpu.vector_store %arg4[%swap3A, %swap3A_20], %mul3A_19 {strides = array<i32>} : memref<10000x128xf32, #tpu.memory_space<vmem>>, vector<10000x128xf32>,
    %swap3A_22 = arith.constant 0 : index
    %swap3A_23 = arith.constant 0 : index
    %swap3A_24 = vector.load %arg5[%swap3A_22, %swap3A_23] : memref<10000x1xf32, #tpu.memory_space<vmem>>, vector<10000x1xf32>
    tpu.vector_store %arg5[%swap3A_22, %swap3A_23], %rsqrt3A {strides = array<i32>} : memref<10000x1xf32, #tpu.memory_space<vmem>>, vector<10000x1xf32>,
    return
  }
  func.func @transform_0(%arg0: i32) -> (i32, i32, i32) {
    %c0_i32 = arith.constant 0 : i32
    %c0_i32_0 = arith.constant 0 : i32
    %c0_i32_1 = arith.constant 0 : i32
    return %c0_i32, %arg0, %c0_i32_0 : i32, i32, i32
  }
  func.func @transform_1(%arg0: i32) -> (i32, i32) {
    %c0_i32 = arith.constant 0 : i32
    %c0_i32_0 = arith.constant 0 : i32
    return %arg0, %c0_i32 : i32, i32
  }
  func.func @transform_2(%arg0: i32) -> (i32, i32) {
    %c0_i32 = arith.constant 0 : i32
    %c0_i32_0 = arith.constant 0 : i32
    %c0_i32_1 = arith.constant 0 : i32
    return %c0_i32, %c0_i32_0 : i32, i32
  }
  func.func @transform_3(%arg0: i32) -> (i32, i32) {
    %c0_i32 = arith.constant 0 : i32
    %c0_i32_0 = arith.constant 0 : i32
    return %arg0, %c0_i32 : i32, i32
  }
  func.func @transform_4(%arg0: i32) -> (i32, i32) {
    %c0_i32 = arith.constant 0 : i32
    %c0_i32_0 = arith.constant 0 : i32
    return %arg0, %c0_i32 : i32, i32
  }
}

module attributes {stable_mosaic.version = 14 : i64} {
  func.func @_tc_mid_body(%arg0: i32, %arg1: memref<2x10000x128xf32, #tpu.memory_space<vmem>>, %arg2: memref<10000x128xf32, #tpu.memory_space<vmem>>, %arg3: memref<10000x1xf32, #tpu.memory_space<vmem>>, %arg4: memref<1x128xf32, #tpu.memory_space<vmem>>, %arg5: memref<128x128xf32, #tpu.memory_space<vmem>>, %arg6: memref<10000x128xf32, #tpu.memory_space<vmem>>) attributes {dimension_semantics = [#tpu.dimension_semantics<arbitrary>], iteration_bounds = array<i64: 1>, scalar_prefetch = 0 : i64, scratch_operands = 0 : i64, tpu.core_type = #tpu.core_type<tc>, window_params = [{transform_indices = @transform_0, window_bounds = array<i64: 2, 10000, 128>}, {transform_indices = @transform_1, window_bounds = array<i64: 10000, 128>}, {transform_indices = @transform_2, window_bounds = array<i64: 10000, 1>}, {pipeline_mode = #tpu.pipeline_mode<synchronous>, transform_indices = @transform_3, window_bounds = array<i64: 1, 128>}, {pipeline_mode = #tpu.pipeline_mode<synchronous>, transform_indices = @transform_4, window_bounds = array<i64: 128, 128>}, {transform_indices = @transform_5, window_bounds = array<i64: 10000, 128>}]} {
    %get3A = arith.constant 0 : index
    %get3A_0 = arith.constant 0 : index
    %get3A_1 = vector.load %arg3[%get3A, %get3A_0] : memref<10000x1xf32, #tpu.memory_space<vmem>>, vector<10000x1xf32>
    %get3A_2 = arith.constant 0 : index
    %get3A_3 = arith.constant 0 : index
    %get3A_4 = arith.constant 0 : index
    %get3A_5 = vector.load %arg1[%get3A_2, %get3A_3, %get3A_4] : memref<2x10000x128xf32, #tpu.memory_space<vmem>>, vector<1x10000x128xf32>
    %get3A_6 = vector.shape_cast %get3A_5 : vector<1x10000x128xf32> to vector<10000x128xf32>
    %get3A_7 = arith.constant 1 : index
    %get3A_8 = arith.constant 0 : index
    %get3A_9 = arith.constant 0 : index
    %get3A_10 = vector.load %arg1[%get3A_7, %get3A_8, %get3A_9] : memref<2x10000x128xf32, #tpu.memory_space<vmem>>, vector<1x10000x128xf32>
    %get3A_11 = vector.shape_cast %get3A_10 : vector<1x10000x128xf32> to vector<10000x128xf32>
    %add3A = arith.addf %get3A_6, %get3A_11 : vector<10000x128xf32>
    %get3A_12 = arith.constant 0 : index
    %get3A_13 = arith.constant 0 : index
    %get3A_14 = vector.load %arg2[%get3A_12, %get3A_13] : memref<10000x128xf32, #tpu.memory_space<vmem>>, vector<10000x128xf32>
    %sub3A = arith.subf %add3A, %get3A_14 : vector<10000x128xf32>
    %mul3A = vector.broadcast %get3A_1 : vector<10000x1xf32> to vector<10000x128xf32>
    %mul3A_15 = arith.mulf %sub3A, %mul3A : vector<10000x128xf32>
    %get3A_16 = arith.constant 0 : index
    %get3A_17 = arith.constant 0 : index
    %get3A_18 = vector.load %arg4[%get3A_16, %get3A_17] : memref<1x128xf32, #tpu.memory_space<vmem>>, vector<1x128xf32>
    %add3A_19 = vector.broadcast %get3A_18 : vector<1x128xf32> to vector<10000x128xf32>
    %add3A_20 = arith.addf %mul3A_15, %add3A_19 : vector<10000x128xf32>
    %tanh3A = math.tanh %add3A_20 : vector<10000x128xf32>
    %get3A_21 = arith.constant 0 : index
    %get3A_22 = arith.constant 0 : index
    %get3A_23 = vector.load %arg5[%get3A_21, %get3A_22] : memref<128x128xf32, #tpu.memory_space<vmem>>, vector<128x128xf32>
    %dot_general3A = arith.constant dense<0.000000e+00> : vector<10000x128xf32>
    %dot_general3A_24 = tpu.matmul %tanh3A, %get3A_23, %dot_general3A {dimension_numbers = #tpu.dot_dimension_numbers<[1], [0], [0], [1], [0, 0, 1, 1], [], []>, transpose_lhs_hint = false} : vector<10000x128xf32>, vector<128x128xf32>, vector<10000x128xf32> -> vector<10000x128xf32>
    %mul3A_25 = vector.broadcast %get3A_1 : vector<10000x1xf32> to vector<10000x128xf32>
    %mul3A_26 = arith.mulf %dot_general3A_24, %mul3A_25 : vector<10000x128xf32>
    %swap3A = arith.constant 0 : index
    %swap3A_27 = arith.constant 0 : index
    %swap3A_28 = vector.load %arg6[%swap3A, %swap3A_27] : memref<10000x128xf32, #tpu.memory_space<vmem>>, vector<10000x128xf32>
    tpu.vector_store %arg6[%swap3A, %swap3A_27], %mul3A_26 {strides = array<i32>} : memref<10000x128xf32, #tpu.memory_space<vmem>>, vector<10000x128xf32>,
    return
  }
  func.func @transform_0(%arg0: i32) -> (i32, i32, i32) {
    %c0_i32 = arith.constant 0 : i32
    %c0_i32_0 = arith.constant 0 : i32
    %c0_i32_1 = arith.constant 0 : i32
    return %c0_i32, %arg0, %c0_i32_0 : i32, i32, i32
  }
  func.func @transform_1(%arg0: i32) -> (i32, i32) {
    %c0_i32 = arith.constant 0 : i32
    %c0_i32_0 = arith.constant 0 : i32
    return %arg0, %c0_i32 : i32, i32
  }
  func.func @transform_2(%arg0: i32) -> (i32, i32) {
    %c0_i32 = arith.constant 0 : i32
    %c0_i32_0 = arith.constant 0 : i32
    return %arg0, %c0_i32 : i32, i32
  }
  func.func @transform_3(%arg0: i32) -> (i32, i32) {
    %c0_i32 = arith.constant 0 : i32
    %c0_i32_0 = arith.constant 0 : i32
    %c0_i32_1 = arith.constant 0 : i32
    return %c0_i32, %c0_i32_0 : i32, i32
  }
  func.func @transform_4(%arg0: i32) -> (i32, i32) {
    %c0_i32 = arith.constant 0 : i32
    %c0_i32_0 = arith.constant 0 : i32
    %c0_i32_1 = arith.constant 0 : i32
    return %c0_i32, %c0_i32_0 : i32, i32
  }
  func.func @transform_5(%arg0: i32) -> (i32, i32) {
    %c0_i32 = arith.constant 0 : i32
    %c0_i32_0 = arith.constant 0 : i32
    return %arg0, %c0_i32 : i32, i32
  }
}

module attributes {stable_mosaic.version = 14 : i64} {
  func.func @_tc_final_body(%arg0: i32, %arg1: memref<2x10000x128xf32, #tpu.memory_space<vmem>>, %arg2: memref<10000x128xf32, #tpu.memory_space<vmem>>, %arg3: memref<10000x1xf32, #tpu.memory_space<vmem>>, %arg4: memref<1x128xf32, #tpu.memory_space<vmem>>, %arg5: memref<10000x1xi32, #tpu.memory_space<vmem>>, %arg6: memref<128x16xf32, #tpu.memory_space<vmem>>, %arg7: memref<1x16xf32, #tpu.memory_space<vmem>>, %arg8: memref<64x16xf32, #tpu.memory_space<vmem>>, %arg9: memref<64x128xf32, #tpu.memory_space<vmem>>, %arg10: memref<64x1xf32, #tpu.memory_space<vmem>>) attributes {dimension_semantics = [#tpu.dimension_semantics<arbitrary>], iteration_bounds = array<i64: 1>, scalar_prefetch = 0 : i64, scratch_operands = 2 : i64, tpu.core_type = #tpu.core_type<tc>, window_params = [{transform_indices = @transform_0, window_bounds = array<i64: 2, 10000, 128>}, {transform_indices = @transform_1, window_bounds = array<i64: 10000, 128>}, {transform_indices = @transform_2, window_bounds = array<i64: 10000, 1>}, {pipeline_mode = #tpu.pipeline_mode<synchronous>, transform_indices = @transform_3, window_bounds = array<i64: 1, 128>}, {transform_indices = @transform_4, window_bounds = array<i64: 10000, 1>}, {pipeline_mode = #tpu.pipeline_mode<synchronous>, transform_indices = @transform_5, window_bounds = array<i64: 128, 16>}, {pipeline_mode = #tpu.pipeline_mode<synchronous>, transform_indices = @transform_6, window_bounds = array<i64: 1, 16>}, {pipeline_mode = #tpu.pipeline_mode<synchronous>, transform_indices = @transform_7, window_bounds = array<i64: 64, 16>}]} {
    %get3A = arith.constant 0 : index
    %get3A_0 = arith.constant 0 : index
    %get3A_1 = arith.constant 0 : index
    %get3A_2 = vector.load %arg1[%get3A, %get3A_0, %get3A_1] : memref<2x10000x128xf32, #tpu.memory_space<vmem>>, vector<1x10000x128xf32>
    %get3A_3 = vector.shape_cast %get3A_2 : vector<1x10000x128xf32> to vector<10000x128xf32>
    %get3A_4 = arith.constant 1 : index
    %get3A_5 = arith.constant 0 : index
    %get3A_6 = arith.constant 0 : index
    %get3A_7 = vector.load %arg1[%get3A_4, %get3A_5, %get3A_6] : memref<2x10000x128xf32, #tpu.memory_space<vmem>>, vector<1x10000x128xf32>
    %get3A_8 = vector.shape_cast %get3A_7 : vector<1x10000x128xf32> to vector<10000x128xf32>
    %add3A = arith.addf %get3A_3, %get3A_8 : vector<10000x128xf32>
    %get3A_9 = arith.constant 0 : index
    %get3A_10 = arith.constant 0 : index
    %get3A_11 = vector.load %arg2[%get3A_9, %get3A_10] : memref<10000x128xf32, #tpu.memory_space<vmem>>, vector<10000x128xf32>
    %sub3A = arith.subf %add3A, %get3A_11 : vector<10000x128xf32>
    %get3A_12 = arith.constant 0 : index
    %get3A_13 = arith.constant 0 : index
    %get3A_14 = vector.load %arg3[%get3A_12, %get3A_13] : memref<10000x1xf32, #tpu.memory_space<vmem>>, vector<10000x1xf32>
    %mul3A = vector.broadcast %get3A_14 : vector<10000x1xf32> to vector<10000x128xf32>
    %mul3A_15 = arith.mulf %sub3A, %mul3A : vector<10000x128xf32>
    %get3A_16 = arith.constant 0 : index
    %get3A_17 = arith.constant 0 : index
    %get3A_18 = vector.load %arg4[%get3A_16, %get3A_17] : memref<1x128xf32, #tpu.memory_space<vmem>>, vector<1x128xf32>
    %add3A_19 = vector.broadcast %get3A_18 : vector<1x128xf32> to vector<10000x128xf32>
    %add3A_20 = arith.addf %mul3A_15, %add3A_19 : vector<10000x128xf32>
    %tanh3A = math.tanh %add3A_20 : vector<10000x128xf32>
    %iota3A = tpu.iota {dimensions = array<i32: 1>} : vector<10000x64xi32>
    %get3A_21 = arith.constant 0 : index
    %get3A_22 = arith.constant 0 : index
    %get3A_23 = vector.load %arg5[%get3A_21, %get3A_22] : memref<10000x1xi32, #tpu.memory_space<vmem>>, vector<10000x1xi32>
    %eq3A = vector.broadcast %get3A_23 : vector<10000x1xi32> to vector<10000x64xi32>
    %eq3A_24 = arith.cmpi eq, %iota3A, %eq3A : vector<10000x64xi32>
    %convert_element_type3A = arith.extui %eq3A_24 : vector<10000x64xi1> to vector<10000x64xi32>
    %convert_element_type3A_25 = arith.sitofp %convert_element_type3A : vector<10000x64xi32> to vector<10000x64xf32>
    %eq3A_26 = arith.constant 0 : i32
    %eq3A_27 = arith.cmpi eq, %arg0, %eq3A_26 : i32
    %convert_element_type3A_28 = arith.extui %eq3A_27 : i1 to i32
    %cond3A = arith.constant 0 : i32
    %cond3A_29 = arith.cmpi ne, %convert_element_type3A_28, %cond3A : i32
    scf.if %cond3A_29 {
      %broadcast_in_dim3A_52 = arith.constant 0.000000e+00 : f32
      %broadcast_in_dim3A_53 = vector.broadcast %broadcast_in_dim3A_52 : f32 to vector<64x128xf32>
      %swap3A_54 = arith.constant 0 : index
      %swap3A_55 = arith.constant 0 : index
      %swap3A_56 = vector.load %arg9[%swap3A_54, %swap3A_55] : memref<64x128xf32, #tpu.memory_space<vmem>>, vector<64x128xf32>
      tpu.vector_store %arg9[%swap3A_54, %swap3A_55], %broadcast_in_dim3A_53 {strides = array<i32>} : memref<64x128xf32, #tpu.memory_space<vmem>>, vector<64x128xf32>,
      %broadcast_in_dim3A_57 = arith.constant 0.000000e+00 : f32
      %broadcast_in_dim3A_58 = vector.broadcast %broadcast_in_dim3A_57 : f32 to vector<64x1xf32>
      %swap3A_59 = arith.constant 0 : index
      %swap3A_60 = arith.constant 0 : index
      %swap3A_61 = vector.load %arg10[%swap3A_59, %swap3A_60] : memref<64x1xf32, #tpu.memory_space<vmem>>, vector<64x1xf32>
      tpu.vector_store %arg10[%swap3A_59, %swap3A_60], %broadcast_in_dim3A_58 {strides = array<i32>} : memref<64x1xf32, #tpu.memory_space<vmem>>, vector<64x1xf32>,
    } else {
    }
    %get3A_30 = arith.constant 0 : index
    %get3A_31 = arith.constant 0 : index
    %get3A_32 = vector.load %arg9[%get3A_30, %get3A_31] : memref<64x128xf32, #tpu.memory_space<vmem>>, vector<64x128xf32>
    %dot_general3A = arith.constant dense<0.000000e+00> : vector<64x128xf32>
    %dot_general3A_33 = tpu.matmul %convert_element_type3A_25, %tanh3A, %dot_general3A {dimension_numbers = #tpu.dot_dimension_numbers<[0], [0], [1], [1], [0, 1, 1, 1], [], []>, transpose_lhs_hint = false} : vector<10000x64xf32>, vector<10000x128xf32>, vector<64x128xf32> -> vector<64x128xf32>
    %add3A_34 = arith.addf %get3A_32, %dot_general3A_33 : vector<64x128xf32>
    %swap3A = arith.constant 0 : index
    %swap3A_35 = arith.constant 0 : index
    %swap3A_36 = vector.load %arg9[%swap3A, %swap3A_35] : memref<64x128xf32, #tpu.memory_space<vmem>>, vector<64x128xf32>
    tpu.vector_store %arg9[%swap3A, %swap3A_35], %add3A_34 {strides = array<i32>} : memref<64x128xf32, #tpu.memory_space<vmem>>, vector<64x128xf32>,
    %get3A_37 = arith.constant 0 : index
    %get3A_38 = arith.constant 0 : index
    %get3A_39 = vector.load %arg10[%get3A_37, %get3A_38] : memref<64x1xf32, #tpu.memory_space<vmem>>, vector<64x1xf32>
    %broadcast_in_dim3A = arith.constant 1.000000e+00 : f32
    %broadcast_in_dim3A_40 = vector.broadcast %broadcast_in_dim3A : f32 to vector<10000x1xf32>
    %dot_general3A_41 = arith.constant dense<0.000000e+00> : vector<64x1xf32>
    %dot_general3A_42 = tpu.matmul %convert_element_type3A_25, %broadcast_in_dim3A_40, %dot_general3A_41 {dimension_numbers = #tpu.dot_dimension_numbers<[0], [0], [1], [1], [0, 1, 1, 1], [], []>, transpose_lhs_hint = false} : vector<10000x64xf32>, vector<10000x1xf32>, vector<64x1xf32> -> vector<64x1xf32>
    %add3A_43 = arith.addf %get3A_39, %dot_general3A_42 : vector<64x1xf32>
    %swap3A_44 = arith.constant 0 : index
    %swap3A_45 = arith.constant 0 : index
    %swap3A_46 = vector.load %arg10[%swap3A_44, %swap3A_45] : memref<64x1xf32, #tpu.memory_space<vmem>>, vector<64x1xf32>
    tpu.vector_store %arg10[%swap3A_44, %swap3A_45], %add3A_43 {strides = array<i32>} : memref<64x1xf32, #tpu.memory_space<vmem>>, vector<64x1xf32>,
    %eq3A_47 = arith.constant 0 : i32
    %eq3A_48 = arith.cmpi eq, %arg0, %eq3A_47 : i32
    %convert_element_type3A_49 = arith.extui %eq3A_48 : i1 to i32
    %cond3A_50 = arith.constant 0 : i32
    %cond3A_51 = arith.cmpi ne, %convert_element_type3A_49, %cond3A_50 : i32
    scf.if %cond3A_51 {
      %get3A_52 = arith.constant 0 : index
      %get3A_53 = arith.constant 0 : index
      %get3A_54 = vector.load %arg9[%get3A_52, %get3A_53] : memref<64x128xf32, #tpu.memory_space<vmem>>, vector<64x128xf32>
      %get3A_55 = arith.constant 0 : index
      %get3A_56 = arith.constant 0 : index
      %get3A_57 = vector.load %arg10[%get3A_55, %get3A_56] : memref<64x1xf32, #tpu.memory_space<vmem>>, vector<64x1xf32>
      %max3A = arith.constant 1.000000e+00 : f32
      %max3A_58 = vector.broadcast %max3A : f32 to vector<64x1xf32>
      %max3A_59 = arith.maximumf %get3A_57, %max3A_58 : vector<64x1xf32>
      %div3A = vector.broadcast %max3A_59 : vector<64x1xf32> to vector<64x128xf32>
      %div3A_60 = arith.divf %get3A_54, %div3A : vector<64x128xf32>
      %get3A_61 = arith.constant 0 : index
      %get3A_62 = arith.constant 0 : index
      %get3A_63 = vector.load %arg6[%get3A_61, %get3A_62] : memref<128x16xf32, #tpu.memory_space<vmem>>, vector<128x16xf32>
      %dot_general3A_64 = arith.constant dense<0.000000e+00> : vector<64x16xf32>
      %dot_general3A_65 = tpu.matmul %div3A_60, %get3A_63, %dot_general3A_64 {dimension_numbers = #tpu.dot_dimension_numbers<[1], [0], [0], [1], [0, 0, 1, 1], [], []>, transpose_lhs_hint = false} : vector<64x128xf32>, vector<128x16xf32>, vector<64x16xf32> -> vector<64x16xf32>
      %get3A_66 = arith.constant 0 : index
      %get3A_67 = arith.constant 0 : index
      %get3A_68 = vector.load %arg7[%get3A_66, %get3A_67] : memref<1x16xf32, #tpu.memory_space<vmem>>, vector<1x16xf32>
      %add3A_69 = vector.broadcast %get3A_68 : vector<1x16xf32> to vector<64x16xf32>
      %add3A_70 = arith.addf %dot_general3A_65, %add3A_69 : vector<64x16xf32>
      %swap3A_71 = arith.constant 0 : index
      %swap3A_72 = arith.constant 0 : index
      %swap3A_73 = vector.load %arg8[%swap3A_71, %swap3A_72] : memref<64x16xf32, #tpu.memory_space<vmem>>, vector<64x16xf32>
      tpu.vector_store %arg8[%swap3A_71, %swap3A_72], %add3A_70 {strides = array<i32>} : memref<64x16xf32, #tpu.memory_space<vmem>>, vector<64x16xf32>,
    } else {
    }
    return
  }
  func.func @transform_0(%arg0: i32) -> (i32, i32, i32) {
    %c0_i32 = arith.constant 0 : i32
    %c0_i32_0 = arith.constant 0 : i32
    %c0_i32_1 = arith.constant 0 : i32
    return %c0_i32, %arg0, %c0_i32_0 : i32, i32, i32
  }
  func.func @transform_1(%arg0: i32) -> (i32, i32) {
    %c0_i32 = arith.constant 0 : i32
    %c0_i32_0 = arith.constant 0 : i32
    return %arg0, %c0_i32 : i32, i32
  }
  func.func @transform_2(%arg0: i32) -> (i32, i32) {
    %c0_i32 = arith.constant 0 : i32
    %c0_i32_0 = arith.constant 0 : i32
    return %arg0, %c0_i32 : i32, i32
  }
  func.func @transform_3(%arg0: i32) -> (i32, i32) {
    %c0_i32 = arith.constant 0 : i32
    %c0_i32_0 = arith.constant 0 : i32
    %c0_i32_1 = arith.constant 0 : i32
    return %c0_i32, %c0_i32_0 : i32, i32
  }
  func.func @transform_4(%arg0: i32) -> (i32, i32) {
    %c0_i32 = arith.constant 0 : i32
    %c0_i32_0 = arith.constant 0 : i32
    return %arg0, %c0_i32 : i32, i32
  }
  func.func @transform_5(%arg0: i32) -> (i32, i32) {
    %c0_i32 = arith.constant 0 : i32
    %c0_i32_0 = arith.constant 0 : i32
    %c0_i32_1 = arith.constant 0 : i32
    return %c0_i32, %c0_i32_0 : i32, i32
  }
  func.func @transform_6(%arg0: i32) -> (i32, i32) {
    %c0_i32 = arith.constant 0 : i32
    %c0_i32_0 = arith.constant 0 : i32
    %c0_i32_1 = arith.constant 0 : i32
    return %c0_i32, %c0_i32_0 : i32, i32
  }
  func.func @transform_7(%arg0: i32) -> (i32, i32) {
    %c0_i32 = arith.constant 0 : i32
    %c0_i32_0 = arith.constant 0 : i32
    %c0_i32_1 = arith.constant 0 : i32
    return %c0_i32, %c0_i32_0 : i32, i32
  }
}

</mosaic_0001>

<sc_bundles>
// kernel: kernel.11.cloned.1.call-start
scs
__scs_entry_jumppad:
0x0: {  	(pc) =	sbr.rel $0x88, $3  }
0x1: {  	(tag) =	ssettag $0x0;
	lr =	simm.s32 $0x1  }
0x2: {  	[smem:$0x3F98] =	sst lr;
	_ =	strace $0xD0000000  }
0x3: {  	_ = 	snop  }
0x4: {  	_ = 	snop  }
0x5: {  	_ = 	snop  }
0x6: {  	_ = 	snop  }
0x7: {  	_ = 	snop  }
__scs_overlays_trampoline_lowered:
0x8: {  	[smem:$0x3FA7] =	sst s0  }
0x9: {  	[smem:$0x3FA8] =	sst s1  }
0xa: {  	[smem:$0x3FA9] =	sst s2  }
0xb: {  	[smem:$0x3FAA] =	sst s3  }
0xc: {  	[smem:$0x3FAB] =	sst s4  }
0xd: {  	[smem:$0x3FAC] =	sst s5  }
0xe: {  	[smem:$0x3FAD] =	sst s6  }
0xf: {  	[smem:$0x3FAE] =	sst s7  }
0x10: {  	[smem:$0x3FAF] =	sst s8  }
0x11: {  	[smem:$0x3FB0] =	sst s9;
	s0 =	simm.s32 @!p0 $0x0  }
0x12: {  	s1 =	sld [smem:$0x3F96];
	s0 =	simm.s32 @p0 $0x1  }
0x13: {  	[smem:$0x3FB1] =	sst s0;
	s0 =	simm.s32 @!p1 $0x0  }
0x14: {  	s2 =	sld [smem:$0x3F95];
	s0 =	simm.s32 @p1 $0x1  }
0x15: {  	[smem:$0x3FB2] =	sst s0;
	s0 =	simm.s32 @!p2 $0x0  }
0x16: {  	s3 =	sld [smem:$0x3FDB];
	s0 =	simm.s32 @p2 $0x1  }
0x17: {  	s4 =	simm.s32 $0x1BF5;
	[smem:$0x3FB4] =	sst s0  }
0x18: {  	s0 =	sld [smem:$0x3F97];
	_ =	swait.ge [sflag:s4], $0x0  }
0x19: {  	s7 =	sld [smem:$0x3F98]  }
0x1a: {  	s8 =	sadd.s32 $0xFFFFE003, lr  }
0x1b: {  	s9 =	sadd.s32 $0xFFFFFEF7, lr;
	s5 =	simm.s32 $0xFFFFFFFF;
	p2 =	slt.u32 s8, $0xFFFFF086  }
0x1c: {  	p1 =	slt.u32 s9, $0xF7A;
	s5 =	simm.s32 @!p2 $0x0  }
0x1d: {  	s5 =	simm.s32 @p1 $0x1;
	p0 =	seq.s32 s7, s2  }
0x1e: {  	s7 =	smul.u32 @!p0 $0xF7A, s2;
	p2 =	seq.s32 @!p0 s5, $0x0  }
0x1f: {  	s9 =	smul.u32 $0xF7A, s1;
	s8 =	simm.s32 @!p0 $0x1BF5;
	p2 =	por !p2, p0  }
0x20: {  	[sflag:s8] =	ssyncset.s32 @!p0 $0xFFFFF086;
	s6 =	sadd.s32 @!p0 s3, s7;
	s7 =	simm.s32 @!p0 $0x108  }
0x21: {  	s3 =	sadd.s32 s3, s9;
	s6 =	sadd.s32 @!p0 $0x88, s6;
	s7 =	simm.s32 @p2 $0x1082  }
0x22: {  	[simem:s7], [sflag:s8] =	dma.local @!p0 [hbm:s6], $0xF7A  }
0x23: {  	s9 =	sor.u32 $0xD0000000, s2;
	s6 =	simm.s32 $0x108;
	_ =	swait.ge @!p0 [sflag:s8], $0x0  }
0x24: {  	s3 =	sadd.s32 $0x88, s3;
	s6 =	simm.s32 @!p1 $0x1082;
	[sflag:s4] =	ssyncset.s32 $0xFFFFF086  }
0x25: {  	[simem:s6], [sflag:s4] =	dma.local [hbm:s3], $0xF7A  }
0x26: {  	[smem:$0x3F98] =	sst s1;
	(tag) =	ssettag s2;
	_ =	strace s9  }
0x27: {  	s1 =	sld [smem:$0x3FA8]  }
0x28: {  	s2 =	sld [smem:$0x3FA9]  }
0x29: {  	s4 =	sld [smem:$0x3FAB]  }
0x2a: {  	p0 =	seq.s32 s5, $0x0;
	s5 =	sld [smem:$0x3FAC]  }
0x2b: {  	s6 =	sld [smem:$0x3FAD]  }
0x2c: {  	s7 =	sld [smem:$0x3FAE]  }
0x2d: {  	s3 =	simm.s32 $0x108;
	s8 =	sld [smem:$0x3FAF]  }
0x2e: {  	s3 =	simm.s32 @!p0 $0x1082;
	s9 =	sld [smem:$0x3FB0]  }
0x2f: {  	lr =	sadd.s32 s0, s3;
	s0 =	sld [smem:$0x3FA7]  }
0x30: {  	s3 =	sld [smem:$0x3FAA]  }
0x31: {  	[smem:$0x3FB3] =	sst s10  }
0x32: {  	s10 =	sld [smem:$0x3FB1];
	_ =	sdelay $0x3  }
0x33: {  	p0 =	seq.s32 s10, $0x1;
	s10 =	sld [smem:$0x3FB3];
	_ =	sdelay $0x3  }
0x34: {  	[smem:$0x3FB3] =	sst s10  }
0x35: {  	s10 =	sld [smem:$0x3FB2];
	_ =	sdelay $0x3  }
0x36: {  	p1 =	seq.s32 s10, $0x1;
	s10 =	sld [smem:$0x3FB3];
	_ =	sdelay $0x3  }
0x37: {  	[smem:$0x3FB3] =	sst s10  }
0x38: {  	s10 =	sld [smem:$0x3FB4]  }
0x39: {  	_ = 	snop;
	(pc) =	sbr.ind lr, $3  }
0x3a: {  	_ = 	snop  }
0x3b: {  	_ = 	snop  }
0x3c: {  	p2 =	seq.s32 s10, $0x1;
	s10 =	sld [smem:$0x3FB3]  }
0x3d: {  	_ =	shalt  }
0x3e: {  	_ =	shalt  }
0x3f: {  	_ =	shalt  }
0x40: {  	_ =	shalt  }
0x41: {  	_ =	shalt  }
0x42: {  	_ =	shalt  }
0x43: {  	_ =	shalt  }
0x44: {  	_ =	shalt  }
0x45: {  	_ =	shalt  }
0x46: {  	_ =	shalt  }
0x47: {  	_ =	shalt  }
0x48: {  	_ =	shalt  }
0x49: {  	_ =	shalt  }
0x4a: {  	_ =	shalt  }
0x4b: {  	_ =	shalt  }
0x4c: {  	_ =	shalt  }
0x4d: {  	_ =	shalt  }
0x4e: {  	_ =	shalt  }
0x4f: {  	_ =	shalt  }
0x50: {  	_ =	shalt  }
0x51: {  	_ =	shalt  }
0x52: {  	_ =	shalt  }
0x53: {  	_ =	shalt  }
0x54: {  	_ =	shalt  }
0x55: {  	_ =	shalt  }
0x56: {  	_ =	shalt  }
0x57: {  	_ =	shalt  }
0x58: {  	_ =	shalt  }
0x59: {  	_ =	shalt  }
0x5a: {  	_ =	shalt  }
0x5b: {  	_ =	shalt  }
0x5c: {  	_ =	shalt  }
0x5d: {  	_ =	shalt  }
0x5e: {  	_ =	shalt  }
0x5f: {  	_ =	shalt  }
0x60: {  	_ =	shalt  }
0x61: {  	_ =	shalt  }
0x62: {  	_ =	shalt  }
0x63: {  	_ =	shalt  }
0x64: {  	_ =	shalt  }
0x65: {  	_ =	shalt  }
0x66: {  	_ =	shalt  }
0x67: {  	_ =	shalt  }
0x68: {  	_ =	shalt  }
0x69: {  	_ =	shalt  }
0x6a: {  	_ =	shalt  }
0x6b: {  	_ =	shalt  }
0x6c: {  	_ =	shalt  }
0x6d: {  	_ =	shalt  }
0x6e: {  	_ =	shalt  }
0x6f: {  	_ =	shalt  }
0x70: {  	_ =	shalt  }
0x71: {  	_ =	shalt  }
0x72: {  	_ =	shalt  }
0x73: {  	_ =	shalt  }
0x74: {  	_ =	shalt  }
0x75: {  	_ =	shalt  }
0x76: {  	_ =	shalt  }
0x77: {  	_ =	shalt  }
0x78: {  	_ =	shalt  }
0x79: {  	_ =	shalt  }
0x7a: {  	_ =	shalt  }
0x7b: {  	_ =	shalt  }
0x7c: {  	_ =	shalt  }
0x7d: {  	_ =	shalt  }
0x7e: {  	_ =	shalt  }
0x7f: {  	_ =	shalt  }
0x80: {  	_ =	shalt  }
0x81: {  	_ =	shalt  }
0x82: {  	_ =	shalt  }
0x83: {  	_ =	shalt  }
0x84: {  	_ =	shalt  }
0x85: {  	_ =	shalt  }
0x86: {  	_ =	shalt  }
0x87: {  	_ =	shalt  }
.Lfunc_end0:
.L_simem_size_0:
called_computation.1_lowered:
.L_overlay_start_0:
0x88: {  	s2 =	sld [smem:$0x3FD9]  }
0x89: {  	s3 =	sld [smem:$0x3FFE];
	_ =	sdelay $0x1  }
0x8a: {  	s1 =	srdreg.scid  }
0x8b: {  	s0 =	sand.u32 $0x1, s1  }
0x8c: {  	s16 =	sshll.u32 s0, $0xA;
	s2 =	sadd.s32 s3, s2  }
0x8d: {  	s2 =	sadd.s32 s2, s16  }
0x8e: {  	[smem:$0x3FBF] =	sst s2  }
0x8f: {  	_ = 	snop  }
0x90: {  	(tm) =	ssettm $0x1  }
0x91: {  	s17 =	sld [smem:$0x3FFB];
	_ =	sdelay $0x3  }
0x92: {  	_ =	strace s17  }
0x93: {  	s2 =	sld [smem:$0x3FFC];
	_ =	sdelay $0x3  }
0x94: {  	_ =	strace s2  }
0x95: {  	s2 =	sld [smem:$0x3FFD];
	_ =	sdelay $0x3  }
0x96: {  	_ =	strace s2  }
0x97: {  	_ =	strace $0x8FFFFFFF  }
0x98: {  	s18 =	sld [smem:$0x3FDB];
	_ =	sdelay $0x1  }
0x99: {  	s19 =	simm.s32 $_scs_section_size  }
0x9a: {  	s4 =	simm.s32 $_size__tile_overlayer_lowered;
	s5 =	simm.s32 $_tile_overlayer_lowered  }
0x9b: {  	s22 =	simm.s32 $0x1BFF;
	s21 =	sshll.u32 s5, $0x1;
	s2 =	sadd.s32 s19, s18  }
0x9c: {  	s6 =	simm.s32 $0x0;
	s20 =	sshll.u32 s4, $0x1;
	s4 =	sadd.s32 s21, s2  }
0x9d: {  	[timem:s6], [sflag:s22] =	dma.local [hbm:s4], s20  }
0x9e: {  	_ =	swait.ge [sflag:s22], s20  }
0x9f: {  	s3 =	ssub.s32 $0x0, s20;
	[sflag:s22] =	ssyncset.done $0x0  }
0xa0: {  	[sflag:s22] =	ssyncadd.s32 s3;
	_ =	sdelay $0x1  }
0xa1: {  	s23 =	simm.s32 $0x1B8B  }
0xa2: {  	_ =	swait.ge [sflag:s23], $0x1  }
0xa3: {  	[sflag:s23] =	ssyncset.done $0x0  }
0xa4: {  	s25 =	simm.s32 $0x1B8E;
	s24 =	sld [smem:$0x3FFE];
	[sflag:s23] =	ssyncadd.s32 $0xFFFFFFFF  }
0xa5: {  	s26 =	simm.s32 $execute0_lowered;
	[smem:$0x3FD2] =	sst s25  }
0xa6: {  	s4 =	sshll.u32 s26, $0x1;
	_ =	strace $0x80000049;
	[dreg:$0x1] =	wrdreg $0xFFFFFFFF  }
0xa7: {  	s28 =	simm.s32 $_size_execute0_lowered;
	s2 =	sadd.s32 s2, s4;
	[dreg:$0x0] =	wrdreg $0x0  }
0xa8: {  	s4 =	sshll.u32 s28, $0x1;
	[dreg:$0x2] =	wrdreg s2  }
0xa9: {  	[dreg:$0x3] =	wrdreg s4  }
0xaa: {  	[dreg:$0x4] =	wrdreg $0xC0  }
0xab: {  	_ =	task [dreg:s6], $0x5FFFF  }
0xac: {  	[dreg:$0x1] =	wrdreg $0xFFFFFFFF  }
0xad: {  	[dreg:$0x0] =	wrdreg $0x60  }
0xae: {  	[dreg:$0x2] =	wrdreg s24  }
0xaf: {  	[dreg:$0x3] =	wrdreg $0xA0000  }
0xb0: {  	[dreg:$0x4] =	wrdreg $0x9  }
0xb1: {  	_ =	task.clear_ibuf [dreg:s6], $0x5FFFF;
	_ =	strace $0x90000049  }
0xb2: {  	s29 =	simm.s32 $0x9;
	_ =	strace $0x8000004B  }
0xb3: {  	_ =	swait.ge [sflag:s29], $0x1  }
0xb4: {  	[sflag:s29] =	ssyncadd.s32 $0xFFFFFFFF  }
0xb5: {  	_ =	strace $0x9000004B  }
0xb6: {  	_ =	sfence  }
0xb7: {  	s30 =	sld [smem:$0x0];
	_ =	sdelay $0x2  }
0xb8: {  	s31 =	sshll.u32 s1, $0xD;
	s1 =	sshrl.u32 s1, $0x2  }
0xb9: {  	s3 =	sand.u32 $0x4000, s31;
	s1 =	sadd.s32 s1, s30  }
0xba: {  	s0 =	sor.u32 s3, s0;
	s1 =	sshll.u32 s1, $0x11  }
0xbb: {  	s0 =	sor.u32 s1, s0  }
0xbc: {  	s0 =	sadd.s32 $0x8F2B, s0  }
0xbd: {  	[sflag:s0] =	ssyncadd.remote.s32 $0x1  }
0xbe: {  	_ =	sfence.sel $0xFFFF  }
0xbf: {  	[dreg:$0x0] =	wrdreg $0xFFFFFFFF;
	(pc) =	sbr.abs _section_cstart, $3  }
0xc0: {  	[dreg:$0x1] =	wrdreg $0xFFFFFFFF  }
0xc1: {  	_ =	task.clear_ibuf [dreg:s6], $0x2FFFF;
	_ =	strace $0x9FFFFFFF  }
0xc2: {  	(tm) =	ssettm $0x7FFFFFFF  }
0xc3: {  	_ =	shalt  }
tec
execute0_lowered:
.L_overlay_start_1:
0x0: {  	(tag) =	ssettag $0x1  }
0x1: {  	s0 =	rddreg [dreg:$0x0]  }
0x2: {  	s2 =	rddreg [dreg:$0x1]  }
0x3: {  	s1 =	srdreg.scid;
	s3 =	stileid.u32;
	s4 =	simm.s32 $0x0  }
0x4: {  	s16 =	simm.s32 $0xA;
	s18 =	simm.s32 $0x40;
	s19 =	simm.s32 $0x2000  }
0x5: {  	s21 =	simm.s32 $0x4000;
	s28 =	simm.s32 $0x1;
	s29 =	simm.s32 $0x2  }
0x6: {  	s30 =	simm.s32 $0x3;
	s31 =	simm.s32 $0x4;
	s17 =	simm.s32 $0x7  }
0x7: {  	s20 =	simm.s32 $0x8;
	s1 =	sand.u32 $0x1, s1;
	s7 =	smul.u32 $0x14000, s3  }
0x8: {  	[smem:$0x7FF] =	sst s4;
	s4 =	sadd.s32 $0x35800, s0;
	s11 =	smul.u32 $0x50000, s3  }
0x9: {  	s5 =	sadd.s32 $0x21800, s0;
	s6 =	smul.u32 $0x140000, s1;
	s9 =	ssub.s32 $0x2, s1  }
0xa: {  	_ =	strace $0x8000004A;
	s1 =	sshll.u32 s1, $0x4;
	s10 =	sshrl.u32 s9, $0x1  }
0xb: {  	s1 =	sor.u32 s3, s1;
	s22 =	sshrl.u32 s11, $0x2;
	s3 =	sshll.u32 s3, $0x6  }
0xc: {  	s8 =	sadd.s32 s7, s6;
	s6 =	sadd.s32 $0xD800, s0;
	s9 =	ssub.s32 s9, s10  }
0xd: {  	s7 =	sshrl.u32 s7, $0x3;
	s23 =	smul.u32 $0xA00, s1;
	s11 =	sadd.s32 s22, s2  }
0xe: {  	[dreg:$0x4] =	wrdreg s3;
	s3 =	sor.u32 $0x1C09, s3;
	s12 =	smul.u32 $0x5000, s1  }
0xf: {  	s1 =	simm.s32 $0x6;
	s7 =	sadd.s32 s4, s7;
	[dreg:$0x5] =	wrdreg s3  }
0x10: {  	s22 =	simm.s32 $0x0;
	s26 =	smax.u32 s9, $0x1;
	[dreg:$0x3] =	wrdreg s7  }
0x11: {  	s8 =	sshrl.u32 s8, $0x3;
	s24 =	sadd.s32 s5, s23;
	[dreg:$0x9] =	wrdreg s26  }
0x12: {  	s0 =	sadd.s32 s8, s0;
	s25 =	sadd.s32 s6, s23;
	[dreg:$0x6] =	wrdreg s24  }
0x13: {  	s15 =	sshrl.u32 s11, $0x3;
	[dreg:$0x7] =	wrdreg s25;
	s0 =	sadd.s32 $0x5D800, s0  }
0x14: {  	s23 =	simm.s32 $0x6000;
	s25 =	simm.s32 $0x8000;
	[dreg:$0x8] =	wrdreg s0  }
.LBB2_1:
0x15: {  	s0 =	rddreg [dreg:$0x3]  }
0x16: {  	s3 =	rddreg [dreg:$0x5]  }
0x17: {  	[spmem:s15], [sflag:s3] =	dma.local [hbm:s0], $0x2800  }
0x18: {  	s10 =	simm.s32 $0x0;
	s3 =	rddreg [dreg:$0x6]  }
0x19: {  	[tilespmem:s10], [sflag:$0xA] =	stream.linear.gather [hbm4b:s3+s10], $0x1000, $0x38;
	[tilespmem:$0x1E000] =	vst v63  }
0x1a: {  	_ =	swait.ge [sflag:s16], $0x1000  }
0x1b: {  	[sflag:s16] =	ssyncset.done $0x0  }
0x1c: {  	s7 =	simm.s32 $0x1000;
	s11 =	rddreg [dreg:$0x7];
	[sflag:s16] =	ssyncadd.s32 $0xFFFFF000  }
0x1d: {  	[tilespmem:s7], [sflag:$0xA] =	stream.linear.gather [hbm4b:s11+s10], $0x1000, $0x38;
	[tilespmem:$0x1E000] =	vst v63  }
0x1e: {  	_ =	swait.ge [sflag:s16], $0x1000  }
0x1f: {  	[sflag:s16] =	ssyncset.done $0x0  }
0x20: {  	[sflag:s16] =	ssyncadd.s32 $0xFFFFF000  }
0x21: {  	[tilespmem:s19], [sflag:$0x1] =	stream.indirect.gather [hbm4b:s4+s18], $0x80, s10, s18, $0xb8;
	[tilespmem:$0x1E000] =	vst v63  }
0x22: {  	s13 =	simm.s32 $0x80  }
0x23: {  	[tilespmem:s21], [sflag:$0x2] =	stream.indirect.gather [hbm4b:s4+s18], $0x80, s13, s18, $0xb8;
	[tilespmem:$0x1E000] =	vst v63  }
0x24: {  	s14 =	simm.s32 $0x100  }
0x25: {  	[tilespmem:s23], [sflag:$0x3] =	stream.indirect.gather [hbm4b:s4+s18], $0x80, s14, s18, $0xb8;
	[tilespmem:$0x1E000] =	vst v63  }
0x26: {  	s24 =	simm.s32 $0x180;
	s26 =	simm.s32 $0x9  }
0x27: {  	[tilespmem:s25], [sflag:$0x4] =	stream.indirect.gather [hbm4b:s4+s18], $0x80, s24, s18, $0xb8;
	[tilespmem:$0x1E000] =	vst v63  }
0x28: {  	_ =	swait.ge [sflag:s26], $0x2800  }
0x29: {  	[sflag:s26] =	ssyncset.done $0x0  }
0x2a: {  	[sflag:s26] =	ssyncadd.s32 $0xFFFFD800  }
0x2b: {  	s24 =	simm.s32 $0x0;
	[bflag:$0x0] =	sbarrier.arrive $0xFFFF  }
.LBB2_2:
0x2c: {  	p1 =	seq.s32 s24, $0x0  }
0x2d: {  	s7 =	sshll.u32 @!p1 s24, $0xC  }
0x2e: {  	s7 =	sadd.s32 @!p1 s12, s7  }
0x2f: {  	s7 =	sshrl.u32 @!p1 s7, $0x3  }
0x30: {  	s10 =	simm.s32 @!p1 $0x0;
	s9 =	sadd.s32 @!p1 s5, s7  }
0x31: {  	[tilespmem:s10], [sflag:$0xA] =	stream.linear.gather @!p1 [hbm4b:s9+s10], $0x1000, $0x38;
	[tilespmem:$0x1E000] =	vst v63  }
0x32: {  	s9 =	simm.s32 @!p1 $0xA  }
0x33: {  	_ =	swait.ge @!p1 [sflag:s9], $0x1000  }
0x34: {  	[sflag:s9] =	ssyncset.done @!p1 $0x0  }
0x35: {  	s11 =	simm.s32 @!p1 $0x1000;
	s7 =	sadd.s32 @!p1 s6, s7;
	[sflag:s9] =	ssyncadd.s32 @!p1 $0xFFFFF000  }
0x36: {  	[tilespmem:s11], [sflag:$0xA] =	stream.linear.gather @!p1 [hbm4b:s7+s10], $0x1000, $0x38;
	[tilespmem:$0x1E000] =	vst v63  }
0x37: {  	s7 =	simm.s32 $0x0  }
0x38: {  	_ =	swait.ge @!p1 [sflag:s9], $0x1000;
	s3 =	sor.u32 s24, s7  }
0x39: {  	[sflag:s9] =	ssyncset.done @!p1 $0x0;
	p0 =	seq.s32 s3, $0x0  }
0x3a: {  	[sflag:s9] =	ssyncadd.s32 @!p1 $0xFFFFF000;
	s9 =	simm.s32 @!p0 $0x5  }
0x3b: {  	_ =	swait.ge @!p0 [sflag:s9], $0x2000  }
0x3c: {  	s10 =	simm.s32 @!p0 $0x2000;
	s11 =	simm.s32 @!p0 $0x6;
	[sflag:s9] =	ssyncset.done @!p0 $0x0  }
0x3d: {  	s13 =	simm.s32 @!p0 $0x40;
	[sflag:s9] =	ssyncadd.s32 @!p0 $0xFFFFE000;
	s9 =	simm.s32 @!p0 $0x0  }
0x3e: {  	[tilespmem:s10], [sflag:$0x1] =	stream.indirect.gather @!p0 [hbm4b:s4+s13], $0x80, s9, s13, $0xb8;
	[tilespmem:$0x1E000] =	vst v63  }
0x3f: {  	_ =	swait.ge @!p0 [sflag:s11], $0x2000  }
0x40: {  	s9 =	simm.s32 @!p0 $0x80;
	[sflag:s11] =	ssyncset.done @!p0 $0x0  }
0x41: {  	s10 =	simm.s32 @!p0 $0x4000;
	[sflag:s11] =	ssyncadd.s32 @!p0 $0xFFFFE000;
	s11 =	simm.s32 @!p0 $0x7  }
0x42: {  	[tilespmem:s10], [sflag:$0x2] =	stream.indirect.gather @!p0 [hbm4b:s4+s13], $0x80, s9, s13, $0xb8;
	[tilespmem:$0x1E000] =	vst v63  }
0x43: {  	_ =	swait.ge @!p0 [sflag:s11], $0x2000  }
0x44: {  	s9 =	simm.s32 @!p0 $0x100;
	[sflag:s11] =	ssyncset.done @!p0 $0x0  }
0x45: {  	s10 =	simm.s32 @!p0 $0x6000;
	[sflag:s11] =	ssyncadd.s32 @!p0 $0xFFFFE000;
	s11 =	simm.s32 @!p0 $0x8  }
0x46: {  	[tilespmem:s10], [sflag:$0x3] =	stream.indirect.gather @!p0 [hbm4b:s4+s13], $0x80, s9, s13, $0xb8;
	[tilespmem:$0x1E000] =	vst v63  }
0x47: {  	_ =	swait.ge @!p0 [sflag:s11], $0x2000  }
0x48: {  	[sflag:s11] =	ssyncset.done @!p0 $0x0  }
0x49: {  	s9 =	simm.s32 @!p0 $0x180;
	s10 =	simm.s32 @!p0 $0x8000;
	[sflag:s11] =	ssyncadd.s32 @!p0 $0xFFFFE000  }
0x4a: {  	[tilespmem:s10], [sflag:$0x4] =	stream.indirect.gather @!p0 [hbm4b:s4+s13], $0x80, s9, s13, $0xb8;
	[tilespmem:$0x1E000] =	vst v63  }
0x4b: {  	s7 =	simm.s32 @p0 $0x0;
	_ =	swait.ge [sflag:s28], $0x2000  }
0x4c: {  	s8 =	sshra.s32 s7, $0x2;
	[sflag:s28] =	ssyncset.done $0x0  }
0x4d: {  	s7 =	sadd.s32 $0x1000, s8;
	[sflag:s28] =	ssyncadd.s32 $0xFFFFE000  }
0x4e: {  	[spmem:s2] =	stream.indirect.scatter.add.f32 [tilespmem:s19], [sflag:$0x5], $0x80, s7, s18, $0xb8;
	[tilespmem:$0x1E000] =	vst v63  }
0x4f: {  	_ =	swait.ge [sflag:s29], $0x2000  }
0x50: {  	[sflag:s29] =	ssyncset.done $0x0  }
0x51: {  	s11 =	sadd.s32 $0x1080, s8;
	[sflag:s29] =	ssyncadd.s32 $0xFFFFE000  }
0x52: {  	[spmem:s2] =	stream.indirect.scatter.add.f32 [tilespmem:s21], [sflag:$0x6], $0x80, s11, s18, $0xb8;
	[tilespmem:$0x1E000] =	vst v63  }
0x53: {  	_ =	swait.ge [sflag:s30], $0x2000  }
0x54: {  	s13 =	simm.s32 $0x1;
	[sflag:s30] =	ssyncset.done $0x0  }
0x55: {  	s14 =	sadd.s32 $0x1100, s8;
	s26 =	sor.u32 s24, s13;
	[sflag:s30] =	ssyncadd.s32 $0xFFFFE000  }
0x56: {  	[spmem:s2] =	stream.indirect.scatter.add.f32 [tilespmem:s23], [sflag:$0x7], $0x80, s14, s18, $0xb8;
	[tilespmem:$0x1E000] =	vst v63  }
0x57: {  	s9 =	simm.s32 $0x2;
	p0 =	seq.s32 s26, $0x0;
	_ =	swait.ge [sflag:s31], $0x2000  }
0x58: {  	s11 =	sadd.s32 $0x1180, s8;
	s14 =	simm.s32 $0x800;
	[sflag:s31] =	ssyncset.done $0x0  }
.LBB2_3:
0x59: {  	s13 =	simm.s32 @!p0 $0x5;
	s7 =	smov.u32 s14  }
0x5a: {  	[sflag:s31] =	ssyncadd.s32 $0xFFFFE000;
	s10 =	smov.u32 s9;
	s7 =	simm.s32 @p0 $0x0  }
0x5b: {  	[spmem:s2] =	stream.indirect.scatter.add.f32 [tilespmem:s25], [sflag:$0x8], $0x80, s11, s18, $0xb8;
	[tilespmem:$0x1E000] =	vst v63  }
0x5c: {  	s9 =	sadd.s32 $0x1, s9;
	s11 =	sshra.s32 s7, $0x2;
	_ =	swait.ge @!p0 [sflag:s13], $0x2000  }
0x5d: {  	s8 =	simm.s32 @!p0 $0x6;
	s7 =	simm.s32 @!p0 $0x2000;
	[sflag:s13] =	ssyncset.done @!p0 $0x0  }
0x5e: {  	s3 =	simm.s32 @!p0 $0x40;
	[sflag:s13] =	ssyncadd.s32 @!p0 $0xFFFFE000;
	s13 =	sshra.s32 @!p0 s14, $0x2  }
0x5f: {  	[tilespmem:s7], [sflag:$0x1] =	stream.indirect.gather @!p0 [hbm4b:s4+s3], $0x80, s13, s3, $0xb8;
	[tilespmem:$0x1E000] =	vst v63  }
0x60: {  	s7 =	sadd.s32 @!p0 $0x80, s13;
	s26 =	sadd.s32 @!p0 $0x100, s13;
	_ =	swait.ge @!p0 [sflag:s8], $0x2000  }
0x61: {  	p1 =	sne.s32 s9, $0x8;
	s13 =	sadd.s32 @!p0 $0x180, s13;
	[sflag:s8] =	ssyncset.done @!p0 $0x0  }
0x62: {  	s0 =	simm.s32 @!p0 $0x7;
	[sflag:s8] =	ssyncadd.s32 @!p0 $0xFFFFE000;
	s8 =	simm.s32 @!p0 $0x4000  }
0x63: {  	[tilespmem:s8], [sflag:$0x2] =	stream.indirect.gather @!p0 [hbm4b:s4+s3], $0x80, s7, s3, $0xb8;
	[tilespmem:$0x1E000] =	vst v63  }
0x64: {  	_ =	swait.ge @!p0 [sflag:s0], $0x2000  }
0x65: {  	[sflag:s0] =	ssyncset.done @!p0 $0x0  }
0x66: {  	s7 =	simm.s32 @!p0 $0x8;
	[sflag:s0] =	ssyncadd.s32 @!p0 $0xFFFFE000;
	s0 =	simm.s32 @!p0 $0x6000  }
0x67: {  	[tilespmem:s0], [sflag:$0x3] =	stream.indirect.gather @!p0 [hbm4b:s4+s3], $0x80, s26, s3, $0xb8;
	[tilespmem:$0x1E000] =	vst v63  }
0x68: {  	_ =	swait.ge @!p0 [sflag:s7], $0x2000  }
0x69: {  	[sflag:s7] =	ssyncset.done @!p0 $0x0  }
0x6a: {  	s0 =	simm.s32 @!p0 $0x8000;
	[sflag:s7] =	ssyncadd.s32 @!p0 $0xFFFFE000  }
0x6b: {  	[tilespmem:s0], [sflag:$0x4] =	stream.indirect.gather @!p0 [hbm4b:s4+s3], $0x80, s13, s3, $0xb8;
	[tilespmem:$0x1E000] =	vst v63  }
0x6c: {  	_ =	swait.ge [sflag:s28], $0x2000  }
0x6d: {  	[sflag:s28] =	ssyncset.done $0x0  }
0x6e: {  	s0 =	sadd.s32 $0x1000, s11;
	[sflag:s28] =	ssyncadd.s32 $0xFFFFE000  }
0x6f: {  	[spmem:s2] =	stream.indirect.scatter.add.f32 [tilespmem:s19], [sflag:$0x5], $0x80, s0, s18, $0xb8;
	[tilespmem:$0x1E000] =	vst v63  }
0x70: {  	_ =	swait.ge [sflag:s29], $0x2000  }
0x71: {  	[sflag:s29] =	ssyncset.done $0x0  }
0x72: {  	s0 =	sadd.s32 $0x1080, s11;
	[sflag:s29] =	ssyncadd.s32 $0xFFFFE000  }
0x73: {  	[spmem:s2] =	stream.indirect.scatter.add.f32 [tilespmem:s21], [sflag:$0x6], $0x80, s0, s18, $0xb8;
	[tilespmem:$0x1E000] =	vst v63  }
0x74: {  	_ =	swait.ge [sflag:s30], $0x2000  }
.Ltmp0:
0x75: {  	[sflag:s30] =	ssyncset.done $0x0;
	(pc) =	sbr.rel @p1 .LBB2_3-.Ltmp0, $4  }
0x76: {  	s0 =	sadd.s32 $0x1100, s11;
	[sflag:s30] =	ssyncadd.s32 $0xFFFFE000  }
0x77: {  	[spmem:s2] =	stream.indirect.scatter.add.f32 [tilespmem:s23], [sflag:$0x7], $0x80, s0, s18, $0xb8;
	[tilespmem:$0x1E000] =	vst v63  }
0x78: {  	s14 =	sadd.s32 $0x800, s14;
	s0 =	sor.u32 s24, s10;
	_ =	swait.ge [sflag:s31], $0x2000  }
0x79: {  	s11 =	sadd.s32 $0x1180, s11;
	p0 =	seq.s32 s0, $0x0;
	[sflag:s31] =	ssyncset.done $0x0  }
0x7a: {  	s0 =	simm.s32 @!p0 $0x5;
	[sflag:s31] =	ssyncadd.s32 $0xFFFFE000  }
0x7b: {  	[spmem:s2] =	stream.indirect.scatter.add.f32 [tilespmem:s25], [sflag:$0x8], $0x80, s11, s18, $0xb8;
	[tilespmem:$0x1E000] =	vst v63  }
0x7c: {  	_ =	swait.ge @!p0 [sflag:s0], $0x2000  }
0x7d: {  	s3 =	simm.s32 @!p0 $0x2000;
	s7 =	simm.s32 @!p0 $0x6;
	[sflag:s0] =	ssyncset.done @!p0 $0x0  }
0x7e: {  	s8 =	simm.s32 @!p0 $0x40;
	[sflag:s0] =	ssyncadd.s32 @!p0 $0xFFFFE000;
	s0 =	sshra.s32 @!p0 s14, $0x2  }
0x7f: {  	[tilespmem:s3], [sflag:$0x1] =	stream.indirect.gather @!p0 [hbm4b:s4+s8], $0x80, s0, s8, $0xb8;
	[tilespmem:$0x1E000] =	vst v63  }
0x80: {  	_ =	swait.ge @!p0 [sflag:s7], $0x2000  }
0x81: {  	s9 =	simm.s32 @!p0 $0x7;
	[sflag:s7] =	ssyncset.done @!p0 $0x0  }
0x82: {  	s3 =	sadd.s32 @!p0 $0x80, s0;
	[sflag:s7] =	ssyncadd.s32 @!p0 $0xFFFFE000;
	s7 =	simm.s32 @!p0 $0x4000  }
0x83: {  	[tilespmem:s7], [sflag:$0x2] =	stream.indirect.gather @!p0 [hbm4b:s4+s8], $0x80, s3, s8, $0xb8;
	[tilespmem:$0x1E000] =	vst v63  }
0x84: {  	_ =	swait.ge @!p0 [sflag:s9], $0x2000  }
0x85: {  	s3 =	sadd.s32 @!p0 $0x100, s0;
	[sflag:s9] =	ssyncset.done @!p0 $0x0  }
0x86: {  	s7 =	simm.s32 @!p0 $0x6000;
	[sflag:s9] =	ssyncadd.s32 @!p0 $0xFFFFE000;
	s9 =	simm.s32 @!p0 $0x8  }
0x87: {  	[tilespmem:s7], [sflag:$0x3] =	stream.indirect.gather @!p0 [hbm4b:s4+s8], $0x80, s3, s8, $0xb8;
	[tilespmem:$0x1E000] =	vst v63  }
0x88: {  	_ =	swait.ge @!p0 [sflag:s9], $0x2000  }
0x89: {  	[sflag:s9] =	ssyncset.done @!p0 $0x0  }
0x8a: {  	s0 =	sadd.s32 @!p0 $0x180, s0;
	s3 =	simm.s32 @!p0 $0x8000;
	[sflag:s9] =	ssyncadd.s32 @!p0 $0xFFFFE000  }
0x8b: {  	[tilespmem:s3], [sflag:$0x4] =	stream.indirect.gather @!p0 [hbm4b:s4+s8], $0x80, s0, s8, $0xb8;
	[tilespmem:$0x1E000] =	vst v63  }
0x8c: {  	s14 =	simm.s32 @p0 $0x0;
	_ =	swait.ge [sflag:s28], $0x2000  }
0x8d: {  	s11 =	sshra.s32 s14, $0x2;
	[sflag:s28] =	ssyncset.done $0x0  }
0x8e: {  	s13 =	sadd.s32 $0x1000, s11;
	[sflag:s28] =	ssyncadd.s32 $0xFFFFE000  }
0x8f: {  	[spmem:s2] =	stream.indirect.scatter.add.f32 [tilespmem:s19], [sflag:$0x5], $0x80, s13, s18, $0xb8;
	[tilespmem:$0x1E000] =	vst v63  }
0x90: {  	_ =	swait.ge [sflag:s29], $0x2000  }
0x91: {  	[sflag:s29] =	ssyncset.done $0x0  }
0x92: {  	s14 =	sadd.s32 $0x1080, s11;
	[sflag:s29] =	ssyncadd.s32 $0xFFFFE000  }
0x93: {  	[spmem:s2] =	stream.indirect.scatter.add.f32 [tilespmem:s21], [sflag:$0x6], $0x80, s14, s18, $0xb8;
	[tilespmem:$0x1E000] =	vst v63  }
0x94: {  	_ =	swait.ge [sflag:s30], $0x2000  }
0x95: {  	s24 =	sadd.s32 $0x1, s24;
	[sflag:s30] =	ssyncset.done $0x0  }
0x96: {  	s26 =	sadd.s32 $0x1100, s11;
	p0 =	sne.s32 s24, $0x5;
	[sflag:s30] =	ssyncadd.s32 $0xFFFFE000  }
0x97: {  	[spmem:s2] =	stream.indirect.scatter.add.f32 [tilespmem:s23], [sflag:$0x7], $0x80, s26, s18, $0xb8;
	[tilespmem:$0x1E000] =	vst v63  }
.Ltmp1:
0x98: {  	_ = 	snop;
	(pc) =	sbr.rel @p0 .LBB2_2-.Ltmp1, $4  }
0x99: {  	_ =	swait.ge [sflag:s31], $0x2000  }
0x9a: {  	[sflag:s31] =	ssyncset.done $0x0  }
0x9b: {  	s0 =	sadd.s32 $0x1180, s11;
	[sflag:s31] =	ssyncadd.s32 $0xFFFFE000  }
0x9c: {  	[spmem:s2] =	stream.indirect.scatter.add.f32 [tilespmem:s25], [sflag:$0x8], $0x80, s0, s18, $0xb8;
	[tilespmem:$0x1E000] =	vst v63  }
0x9d: {  	s0 =	simm.s32 $0x5  }
0x9e: {  	_ =	swait.ge [sflag:s0], $0x2000  }
0x9f: {  	[sflag:s0] =	ssyncset.done $0x0  }
0xa0: {  	[sflag:s0] =	ssyncadd.s32 $0xFFFFE000  }
0xa1: {  	_ =	swait.ge [sflag:s1], $0x2000  }
0xa2: {  	[sflag:s1] =	ssyncset.done $0x0  }
0xa3: {  	[sflag:s1] =	ssyncadd.s32 $0xFFFFE000  }
0xa4: {  	_ =	swait.ge [sflag:s17], $0x2000  }
0xa5: {  	[sflag:s17] =	ssyncset.done $0x0  }
0xa6: {  	[sflag:s17] =	ssyncadd.s32 $0xFFFFE000  }
0xa7: {  	_ =	swait.ge [sflag:s20], $0x2000  }
0xa8: {  	[sflag:s20] =	ssyncset.done $0x0  }
0xa9: {  	[sflag:s20] =	ssyncadd.s32 $0xFFFFE000  }
0xaa: {  	[bflag:$0x0] =	sbarrier.arrive $0xFFFF  }
0xab: {  	s24 =	rddreg [dreg:$0x4]  }
0xac: {  	s3 =	rddreg [dreg:$0x8];
	s0 =	sor.u32 $0x1C0A, s24  }
0xad: {  	[hbm:s3], [sflag:s0] =	dma.local [spmem:s15], $0x2800  }
0xae: {  	_ =	swait.ge [sflag:s16], $0x2800  }
0xaf: {  	s22 =	sadd.s32 $0x1, s22;
	s26 =	rddreg [dreg:$0x9]  }
0xb0: {  	p0 =	sne.s32 s22, s26  }
.Ltmp2:
0xb1: {  	_ = 	snop;
	(pc) =	sbr.rel @p0 .LBB2_1-.Ltmp2, $3  }
0xb2: {  	_ =	sdelay $0x1  }
0xb3: {  	[sflag:s16] =	ssyncset.done $0x0  }
0xb4: {  	[sflag:s16] =	ssyncadd.s32 $0xFFFFD800  }
0xb5: {  	_ =	sfence.sel $0x180000  }
0xb6: {  	[bflag:$0x0] =	sbarrier.arrive $0xFFFF  }
0xb7: {  	_ =	strace $0x9000004A  }
0xb8: {  	s0 =	stileid.u32;
	[bflag:$0x2] =	sbarrier.arrive $0xFFFF  }
0xb9: {  	p0 =	sne.s32 s0, $0x0;
	s0 =	rddreg [dreg:$0x2]  }
0xba: {  	s0 =	sadd.s32 @!p0 $0x100000, s0  }
0xbb: {  	[sflag:s0] =	ssyncadd.tile.s32 @!p0 $0x1;
	_ =	shalt  }
.Lfunc_end2:
_tile_overlayer_lowered:
.L_overlay_start_2:
0xbc: {  	(tag) =	ssettag $0x2  }
0xbd: {  	s0 =	rddreg [dreg:$0x0];
	s2 =	stileid.u32  }
0xbe: {  	s1 =	rddreg [dreg:$0x1];
	p0 =	sne.s32 s2, $0x0  }
0xbf: {  	s3 =	rddreg [dreg:$0x2];
	[bflag:$0x3] =	sbarrier.arrive $0xFFFF;
	s2 =	simm.s32 @!p0 $0x1C0A  }
0xc0: {  	[timem:s3], [sflag:s2] =	dma.local @!p0 [hbm:s0], s1  }
0xc1: {  	s0 =	simm.s32 @!p0 $0xA  }
0xc2: {  	_ =	swait.ge @!p0 [sflag:s0], s1  }
0xc3: {  	s1 =	ssub.s32 @!p0 $0x0, s1;
	[sflag:s0] =	ssyncset.done @!p0 $0x0  }
0xc4: {  	[sflag:s0] =	ssyncadd.s32 @!p0 s1  }
0xc5: {  	[bflag:$0x3] =	sbarrier.arrive $0xFFFF  }
0xc6: {  	_ =	shalt  }

// kernel: kernel.14.cloned.1.call-start
scs
__scs_entry_jumppad:
0x0: {  	(pc) =	sbr.rel $0x88, $3  }
0x1: {  	(tag) =	ssettag $0x0;
	lr =	simm.s32 $0x1  }
0x2: {  	[smem:$0x3F98] =	sst lr;
	_ =	strace $0xD0000000  }
0x3: {  	_ = 	snop  }
0x4: {  	_ = 	snop  }
0x5: {  	_ = 	snop  }
0x6: {  	_ = 	snop  }
0x7: {  	_ = 	snop  }
__scs_overlays_trampoline_lowered:
0x8: {  	[smem:$0x3FA7] =	sst s0  }
0x9: {  	[smem:$0x3FA8] =	sst s1  }
0xa: {  	[smem:$0x3FA9] =	sst s2  }
0xb: {  	[smem:$0x3FAA] =	sst s3  }
0xc: {  	[smem:$0x3FAB] =	sst s4  }
0xd: {  	[smem:$0x3FAC] =	sst s5  }
0xe: {  	[smem:$0x3FAD] =	sst s6  }
0xf: {  	[smem:$0x3FAE] =	sst s7  }
0x10: {  	[smem:$0x3FAF] =	sst s8  }
0x11: {  	[smem:$0x3FB0] =	sst s9;
	s0 =	simm.s32 @!p0 $0x0  }
0x12: {  	s1 =	sld [smem:$0x3F96];
	s0 =	simm.s32 @p0 $0x1  }
0x13: {  	[smem:$0x3FB1] =	sst s0;
	s0 =	simm.s32 @!p1 $0x0  }
0x14: {  	s2 =	sld [smem:$0x3F95];
	s0 =	simm.s32 @p1 $0x1  }
0x15: {  	[smem:$0x3FB2] =	sst s0;
	s0 =	simm.s32 @!p2 $0x0  }
0x16: {  	s3 =	sld [smem:$0x3FDB];
	s0 =	simm.s32 @p2 $0x1  }
0x17: {  	s4 =	simm.s32 $0x1BF5;
	[smem:$0x3FB4] =	sst s0  }
0x18: {  	s0 =	sld [smem:$0x3F97];
	_ =	swait.ge [sflag:s4], $0x0  }
0x19: {  	s7 =	sld [smem:$0x3F98]  }
0x1a: {  	s8 =	sadd.s32 $0xFFFFE003, lr  }
0x1b: {  	s9 =	sadd.s32 $0xFFFFFEF7, lr;
	s5 =	simm.s32 $0xFFFFFFFF;
	p2 =	slt.u32 s8, $0xFFFFF086  }
0x1c: {  	p1 =	slt.u32 s9, $0xF7A;
	s5 =	simm.s32 @!p2 $0x0  }
0x1d: {  	s5 =	simm.s32 @p1 $0x1;
	p0 =	seq.s32 s7, s2  }
0x1e: {  	s7 =	smul.u32 @!p0 $0xF7A, s2;
	p2 =	seq.s32 @!p0 s5, $0x0  }
0x1f: {  	s9 =	smul.u32 $0xF7A, s1;
	s8 =	simm.s32 @!p0 $0x1BF5;
	p2 =	por !p2, p0  }
0x20: {  	[sflag:s8] =	ssyncset.s32 @!p0 $0xFFFFF086;
	s6 =	sadd.s32 @!p0 s3, s7;
	s7 =	simm.s32 @!p0 $0x108  }
0x21: {  	s3 =	sadd.s32 s3, s9;
	s6 =	sadd.s32 @!p0 $0x88, s6;
	s7 =	simm.s32 @p2 $0x1082  }
0x22: {  	[simem:s7], [sflag:s8] =	dma.local @!p0 [hbm:s6], $0xF7A  }
0x23: {  	s9 =	sor.u32 $0xD0000000, s2;
	s6 =	simm.s32 $0x108;
	_ =	swait.ge @!p0 [sflag:s8], $0x0  }
0x24: {  	s3 =	sadd.s32 $0x88, s3;
	s6 =	simm.s32 @!p1 $0x1082;
	[sflag:s4] =	ssyncset.s32 $0xFFFFF086  }
0x25: {  	[simem:s6], [sflag:s4] =	dma.local [hbm:s3], $0xF7A  }
0x26: {  	[smem:$0x3F98] =	sst s1;
	(tag) =	ssettag s2;
	_ =	strace s9  }
0x27: {  	s1 =	sld [smem:$0x3FA8]  }
0x28: {  	s2 =	sld [smem:$0x3FA9]  }
0x29: {  	s4 =	sld [smem:$0x3FAB]  }
0x2a: {  	p0 =	seq.s32 s5, $0x0;
	s5 =	sld [smem:$0x3FAC]  }
0x2b: {  	s6 =	sld [smem:$0x3FAD]  }
0x2c: {  	s7 =	sld [smem:$0x3FAE]  }
0x2d: {  	s3 =	simm.s32 $0x108;
	s8 =	sld [smem:$0x3FAF]  }
0x2e: {  	s3 =	simm.s32 @!p0 $0x1082;
	s9 =	sld [smem:$0x3FB0]  }
0x2f: {  	lr =	sadd.s32 s0, s3;
	s0 =	sld [smem:$0x3FA7]  }
0x30: {  	s3 =	sld [smem:$0x3FAA]  }
0x31: {  	[smem:$0x3FB3] =	sst s10  }
0x32: {  	s10 =	sld [smem:$0x3FB1];
	_ =	sdelay $0x3  }
0x33: {  	p0 =	seq.s32 s10, $0x1;
	s10 =	sld [smem:$0x3FB3];
	_ =	sdelay $0x3  }
0x34: {  	[smem:$0x3FB3] =	sst s10  }
0x35: {  	s10 =	sld [smem:$0x3FB2];
	_ =	sdelay $0x3  }
0x36: {  	p1 =	seq.s32 s10, $0x1;
	s10 =	sld [smem:$0x3FB3];
	_ =	sdelay $0x3  }
0x37: {  	[smem:$0x3FB3] =	sst s10  }
0x38: {  	s10 =	sld [smem:$0x3FB4]  }
0x39: {  	_ = 	snop;
	(pc) =	sbr.ind lr, $3  }
0x3a: {  	_ = 	snop  }
0x3b: {  	_ = 	snop  }
0x3c: {  	p2 =	seq.s32 s10, $0x1;
	s10 =	sld [smem:$0x3FB3]  }
0x3d: {  	_ =	shalt  }
0x3e: {  	_ =	shalt  }
0x3f: {  	_ =	shalt  }
0x40: {  	_ =	shalt  }
0x41: {  	_ =	shalt  }
0x42: {  	_ =	shalt  }
0x43: {  	_ =	shalt  }
0x44: {  	_ =	shalt  }
0x45: {  	_ =	shalt  }
0x46: {  	_ =	shalt  }
0x47: {  	_ =	shalt  }
0x48: {  	_ =	shalt  }
0x49: {  	_ =	shalt  }
0x4a: {  	_ =	shalt  }
0x4b: {  	_ =	shalt  }
0x4c: {  	_ =	shalt  }
0x4d: {  	_ =	shalt  }
0x4e: {  	_ =	shalt  }
0x4f: {  	_ =	shalt  }
0x50: {  	_ =	shalt  }
0x51: {  	_ =	shalt  }
0x52: {  	_ =	shalt  }
0x53: {  	_ =	shalt  }
0x54: {  	_ =	shalt  }
0x55: {  	_ =	shalt  }
0x56: {  	_ =	shalt  }
0x57: {  	_ =	shalt  }
0x58: {  	_ =	shalt  }
0x59: {  	_ =	shalt  }
0x5a: {  	_ =	shalt  }
0x5b: {  	_ =	shalt  }
0x5c: {  	_ =	shalt  }
0x5d: {  	_ =	shalt  }
0x5e: {  	_ =	shalt  }
0x5f: {  	_ =	shalt  }
0x60: {  	_ =	shalt  }
0x61: {  	_ =	shalt  }
0x62: {  	_ =	shalt  }
0x63: {  	_ =	shalt  }
0x64: {  	_ =	shalt  }
0x65: {  	_ =	shalt  }
0x66: {  	_ =	shalt  }
0x67: {  	_ =	shalt  }
0x68: {  	_ =	shalt  }
0x69: {  	_ =	shalt  }
0x6a: {  	_ =	shalt  }
0x6b: {  	_ =	shalt  }
0x6c: {  	_ =	shalt  }
0x6d: {  	_ =	shalt  }
0x6e: {  	_ =	shalt  }
0x6f: {  	_ =	shalt  }
0x70: {  	_ =	shalt  }
0x71: {  	_ =	shalt  }
0x72: {  	_ =	shalt  }
0x73: {  	_ =	shalt  }
0x74: {  	_ =	shalt  }
0x75: {  	_ =	shalt  }
0x76: {  	_ =	shalt  }
0x77: {  	_ =	shalt  }
0x78: {  	_ =	shalt  }
0x79: {  	_ =	shalt  }
0x7a: {  	_ =	shalt  }
0x7b: {  	_ =	shalt  }
0x7c: {  	_ =	shalt  }
0x7d: {  	_ =	shalt  }
0x7e: {  	_ =	shalt  }
0x7f: {  	_ =	shalt  }
0x80: {  	_ =	shalt  }
0x81: {  	_ =	shalt  }
0x82: {  	_ =	shalt  }
0x83: {  	_ =	shalt  }
0x84: {  	_ =	shalt  }
0x85: {  	_ =	shalt  }
0x86: {  	_ =	shalt  }
0x87: {  	_ =	shalt  }
.Lfunc_end0:
.L_simem_size_0:
called_computation.2_lowered:
.L_overlay_start_0:
0x88: {  	s2 =	sld [smem:$0x3FD9]  }
0x89: {  	s3 =	sld [smem:$0x3FFE];
	_ =	sdelay $0x1  }
0x8a: {  	s1 =	srdreg.scid  }
0x8b: {  	s0 =	sand.u32 $0x1, s1  }
0x8c: {  	s16 =	sshll.u32 s0, $0xA;
	s2 =	sadd.s32 s3, s2  }
0x8d: {  	s2 =	sadd.s32 s2, s16  }
0x8e: {  	[smem:$0x3FBF] =	sst s2  }
0x8f: {  	_ = 	snop  }
0x90: {  	(tm) =	ssettm $0x1  }
0x91: {  	s17 =	sld [smem:$0x3FFB];
	_ =	sdelay $0x3  }
0x92: {  	_ =	strace s17  }
0x93: {  	s2 =	sld [smem:$0x3FFC];
	_ =	sdelay $0x3  }
0x94: {  	_ =	strace s2  }
0x95: {  	s2 =	sld [smem:$0x3FFD];
	_ =	sdelay $0x3  }
0x96: {  	_ =	strace s2  }
0x97: {  	_ =	strace $0x8FFFFFFF  }
0x98: {  	s18 =	sld [smem:$0x3FDB];
	_ =	sdelay $0x1  }
0x99: {  	s19 =	simm.s32 $_scs_section_size  }
0x9a: {  	s4 =	simm.s32 $_size__tile_overlayer_lowered;
	s5 =	simm.s32 $_tile_overlayer_lowered  }
0x9b: {  	s22 =	simm.s32 $0x1BFF;
	s21 =	sshll.u32 s5, $0x1;
	s2 =	sadd.s32 s19, s18  }
0x9c: {  	s6 =	simm.s32 $0x0;
	s20 =	sshll.u32 s4, $0x1;
	s4 =	sadd.s32 s21, s2  }
0x9d: {  	[timem:s6], [sflag:s22] =	dma.local [hbm:s4], s20  }
0x9e: {  	_ =	swait.ge [sflag:s22], s20  }
0x9f: {  	s3 =	ssub.s32 $0x0, s20;
	[sflag:s22] =	ssyncset.done $0x0  }
0xa0: {  	[sflag:s22] =	ssyncadd.s32 s3;
	_ =	sdelay $0x1  }
0xa1: {  	s23 =	simm.s32 $0x1B8B  }
0xa2: {  	_ =	swait.ge [sflag:s23], $0x1  }
0xa3: {  	[sflag:s23] =	ssyncset.done $0x0  }
0xa4: {  	s25 =	simm.s32 $0x1B8E;
	s24 =	sld [smem:$0x3FFE];
	[sflag:s23] =	ssyncadd.s32 $0xFFFFFFFF  }
0xa5: {  	s26 =	simm.s32 $execute0_lowered;
	[smem:$0x3FD2] =	sst s25  }
0xa6: {  	s4 =	sshll.u32 s26, $0x1;
	_ =	strace $0x8000004C;
	[dreg:$0x1] =	wrdreg $0xFFFFFFFF  }
0xa7: {  	s28 =	simm.s32 $_size_execute0_lowered;
	s2 =	sadd.s32 s2, s4;
	[dreg:$0x0] =	wrdreg $0x0  }
0xa8: {  	s4 =	sshll.u32 s28, $0x1;
	[dreg:$0x2] =	wrdreg s2  }
0xa9: {  	[dreg:$0x3] =	wrdreg s4  }
0xaa: {  	[dreg:$0x4] =	wrdreg $0xC0  }
0xab: {  	_ =	task [dreg:s6], $0x5FFFF  }
0xac: {  	[dreg:$0x1] =	wrdreg $0xFFFFFFFF  }
0xad: {  	[dreg:$0x0] =	wrdreg $0x60  }
0xae: {  	[dreg:$0x2] =	wrdreg s24  }
0xaf: {  	[dreg:$0x3] =	wrdreg $0xA0000  }
0xb0: {  	[dreg:$0x4] =	wrdreg $0x9  }
0xb1: {  	_ =	task.clear_ibuf [dreg:s6], $0x5FFFF;
	_ =	strace $0x9000004C  }
0xb2: {  	s29 =	simm.s32 $0x9;
	_ =	strace $0x8000004E  }
0xb3: {  	_ =	swait.ge [sflag:s29], $0x1  }
0xb4: {  	[sflag:s29] =	ssyncadd.s32 $0xFFFFFFFF  }
0xb5: {  	_ =	strace $0x9000004E  }
0xb6: {  	_ =	sfence  }
0xb7: {  	s30 =	sld [smem:$0x0];
	_ =	sdelay $0x2  }
0xb8: {  	s31 =	sshll.u32 s1, $0xD;
	s1 =	sshrl.u32 s1, $0x2  }
0xb9: {  	s3 =	sand.u32 $0x4000, s31;
	s1 =	sadd.s32 s1, s30  }
0xba: {  	s0 =	sor.u32 s3, s0;
	s1 =	sshll.u32 s1, $0x11  }
0xbb: {  	s0 =	sor.u32 s1, s0  }
0xbc: {  	s0 =	sadd.s32 $0x8F2B, s0  }
0xbd: {  	[sflag:s0] =	ssyncadd.remote.s32 $0x1  }
0xbe: {  	_ =	sfence.sel $0xFFFF  }
0xbf: {  	[dreg:$0x0] =	wrdreg $0xFFFFFFFF;
	(pc) =	sbr.abs _section_cstart, $3  }
0xc0: {  	[dreg:$0x1] =	wrdreg $0xFFFFFFFF  }
0xc1: {  	_ =	task.clear_ibuf [dreg:s6], $0x2FFFF;
	_ =	strace $0x9FFFFFFF  }
0xc2: {  	(tm) =	ssettm $0x7FFFFFFF  }
0xc3: {  	_ =	shalt  }
tec
execute0_lowered:
.L_overlay_start_1:
0x0: {  	(tag) =	ssettag $0x1  }
0x1: {  	s0 =	rddreg [dreg:$0x0]  }
0x2: {  	s2 =	rddreg [dreg:$0x1]  }
0x3: {  	s1 =	srdreg.scid;
	s3 =	stileid.u32;
	s4 =	simm.s32 $0x0  }
0x4: {  	s16 =	simm.s32 $0xA;
	s18 =	simm.s32 $0x40;
	s19 =	simm.s32 $0x2000  }
0x5: {  	s21 =	simm.s32 $0x4000;
	s28 =	simm.s32 $0x1;
	s29 =	simm.s32 $0x2  }
0x6: {  	s30 =	simm.s32 $0x3;
	s31 =	simm.s32 $0x4;
	s17 =	simm.s32 $0x7  }
0x7: {  	s20 =	simm.s32 $0x8;
	s1 =	sand.u32 $0x1, s1;
	s7 =	smul.u32 $0x14000, s3  }
0x8: {  	[smem:$0x7FF] =	sst s4;
	s4 =	sadd.s32 $0x35800, s0;
	s11 =	smul.u32 $0x50000, s3  }
0x9: {  	s5 =	sadd.s32 $0x21800, s0;
	s6 =	smul.u32 $0x140000, s1;
	s9 =	ssub.s32 $0x2, s1  }
0xa: {  	_ =	strace $0x8000004D;
	s1 =	sshll.u32 s1, $0x4;
	s10 =	sshrl.u32 s9, $0x1  }
0xb: {  	s1 =	sor.u32 s3, s1;
	s22 =	sshrl.u32 s11, $0x2;
	s3 =	sshll.u32 s3, $0x6  }
0xc: {  	s8 =	sadd.s32 s7, s6;
	s6 =	sadd.s32 $0xD800, s0;
	s9 =	ssub.s32 s9, s10  }
0xd: {  	s7 =	sshrl.u32 s7, $0x3;
	s23 =	smul.u32 $0xA00, s1;
	s11 =	sadd.s32 s22, s2  }
0xe: {  	[dreg:$0x4] =	wrdreg s3;
	s3 =	sor.u32 $0x1C09, s3;
	s12 =	smul.u32 $0x5000, s1  }
0xf: {  	s1 =	simm.s32 $0x6;
	s7 =	sadd.s32 s4, s7;
	[dreg:$0x5] =	wrdreg s3  }
0x10: {  	s22 =	simm.s32 $0x0;
	s26 =	smax.u32 s9, $0x1;
	[dreg:$0x3] =	wrdreg s7  }
0x11: {  	s8 =	sshrl.u32 s8, $0x3;
	s24 =	sadd.s32 s5, s23;
	[dreg:$0x9] =	wrdreg s26  }
0x12: {  	s0 =	sadd.s32 s8, s0;
	s25 =	sadd.s32 s6, s23;
	[dreg:$0x6] =	wrdreg s24  }
0x13: {  	s15 =	sshrl.u32 s11, $0x3;
	[dreg:$0x7] =	wrdreg s25;
	s0 =	sadd.s32 $0x5D800, s0  }
0x14: {  	s23 =	simm.s32 $0x6000;
	s25 =	simm.s32 $0x8000;
	[dreg:$0x8] =	wrdreg s0  }
.LBB2_1:
0x15: {  	s0 =	rddreg [dreg:$0x3]  }
0x16: {  	s3 =	rddreg [dreg:$0x5]  }
0x17: {  	[spmem:s15], [sflag:s3] =	dma.local [hbm:s0], $0x2800  }
0x18: {  	s10 =	simm.s32 $0x0;
	s3 =	rddreg [dreg:$0x6]  }
0x19: {  	[tilespmem:s10], [sflag:$0xA] =	stream.linear.gather [hbm4b:s3+s10], $0x1000, $0x38;
	[tilespmem:$0x1E000] =	vst v63  }
0x1a: {  	_ =	swait.ge [sflag:s16], $0x1000  }
0x1b: {  	[sflag:s16] =	ssyncset.done $0x0  }
0x1c: {  	s7 =	simm.s32 $0x1000;
	s11 =	rddreg [dreg:$0x7];
	[sflag:s16] =	ssyncadd.s32 $0xFFFFF000  }
0x1d: {  	[tilespmem:s7], [sflag:$0xA] =	stream.linear.gather [hbm4b:s11+s10], $0x1000, $0x38;
	[tilespmem:$0x1E000] =	vst v63  }
0x1e: {  	_ =	swait.ge [sflag:s16], $0x1000  }
0x1f: {  	[sflag:s16] =	ssyncset.done $0x0  }
0x20: {  	[sflag:s16] =	ssyncadd.s32 $0xFFFFF000  }
0x21: {  	[tilespmem:s19], [sflag:$0x1] =	stream.indirect.gather [hbm4b:s4+s18], $0x80, s10, s18, $0xb8;
	[tilespmem:$0x1E000] =	vst v63  }
0x22: {  	s13 =	simm.s32 $0x80  }
0x23: {  	[tilespmem:s21], [sflag:$0x2] =	stream.indirect.gather [hbm4b:s4+s18], $0x80, s13, s18, $0xb8;
	[tilespmem:$0x1E000] =	vst v63  }
0x24: {  	s14 =	simm.s32 $0x100  }
0x25: {  	[tilespmem:s23], [sflag:$0x3] =	stream.indirect.gather [hbm4b:s4+s18], $0x80, s14, s18, $0xb8;
	[tilespmem:$0x1E000] =	vst v63  }
0x26: {  	s24 =	simm.s32 $0x180;
	s26 =	simm.s32 $0x9  }
0x27: {  	[tilespmem:s25], [sflag:$0x4] =	stream.indirect.gather [hbm4b:s4+s18], $0x80, s24, s18, $0xb8;
	[tilespmem:$0x1E000] =	vst v63  }
0x28: {  	_ =	swait.ge [sflag:s26], $0x2800  }
0x29: {  	[sflag:s26] =	ssyncset.done $0x0  }
0x2a: {  	[sflag:s26] =	ssyncadd.s32 $0xFFFFD800  }
0x2b: {  	s24 =	simm.s32 $0x0;
	[bflag:$0x0] =	sbarrier.arrive $0xFFFF  }
.LBB2_2:
0x2c: {  	p1 =	seq.s32 s24, $0x0  }
0x2d: {  	s7 =	sshll.u32 @!p1 s24, $0xC  }
0x2e: {  	s7 =	sadd.s32 @!p1 s12, s7  }
0x2f: {  	s7 =	sshrl.u32 @!p1 s7, $0x3  }
0x30: {  	s10 =	simm.s32 @!p1 $0x0;
	s9 =	sadd.s32 @!p1 s5, s7  }
0x31: {  	[tilespmem:s10], [sflag:$0xA] =	stream.linear.gather @!p1 [hbm4b:s9+s10], $0x1000, $0x38;
	[tilespmem:$0x1E000] =	vst v63  }
0x32: {  	s9 =	simm.s32 @!p1 $0xA  }
0x33: {  	_ =	swait.ge @!p1 [sflag:s9], $0x1000  }
0x34: {  	[sflag:s9] =	ssyncset.done @!p1 $0x0  }
0x35: {  	s11 =	simm.s32 @!p1 $0x1000;
	s7 =	sadd.s32 @!p1 s6, s7;
	[sflag:s9] =	ssyncadd.s32 @!p1 $0xFFFFF000  }
0x36: {  	[tilespmem:s11], [sflag:$0xA] =	stream.linear.gather @!p1 [hbm4b:s7+s10], $0x1000, $0x38;
	[tilespmem:$0x1E000] =	vst v63  }
0x37: {  	s7 =	simm.s32 $0x0  }
0x38: {  	_ =	swait.ge @!p1 [sflag:s9], $0x1000;
	s3 =	sor.u32 s24, s7  }
0x39: {  	[sflag:s9] =	ssyncset.done @!p1 $0x0;
	p0 =	seq.s32 s3, $0x0  }
0x3a: {  	[sflag:s9] =	ssyncadd.s32 @!p1 $0xFFFFF000;
	s9 =	simm.s32 @!p0 $0x5  }
0x3b: {  	_ =	swait.ge @!p0 [sflag:s9], $0x2000  }
0x3c: {  	s10 =	simm.s32 @!p0 $0x2000;
	s11 =	simm.s32 @!p0 $0x6;
	[sflag:s9] =	ssyncset.done @!p0 $0x0  }
0x3d: {  	s13 =	simm.s32 @!p0 $0x40;
	[sflag:s9] =	ssyncadd.s32 @!p0 $0xFFFFE000;
	s9 =	simm.s32 @!p0 $0x0  }
0x3e: {  	[tilespmem:s10], [sflag:$0x1] =	stream.indirect.gather @!p0 [hbm4b:s4+s13], $0x80, s9, s13, $0xb8;
	[tilespmem:$0x1E000] =	vst v63  }
0x3f: {  	_ =	swait.ge @!p0 [sflag:s11], $0x2000  }
0x40: {  	s9 =	simm.s32 @!p0 $0x80;
	[sflag:s11] =	ssyncset.done @!p0 $0x0  }
0x41: {  	s10 =	simm.s32 @!p0 $0x4000;
	[sflag:s11] =	ssyncadd.s32 @!p0 $0xFFFFE000;
	s11 =	simm.s32 @!p0 $0x7  }
0x42: {  	[tilespmem:s10], [sflag:$0x2] =	stream.indirect.gather @!p0 [hbm4b:s4+s13], $0x80, s9, s13, $0xb8;
	[tilespmem:$0x1E000] =	vst v63  }
0x43: {  	_ =	swait.ge @!p0 [sflag:s11], $0x2000  }
0x44: {  	s9 =	simm.s32 @!p0 $0x100;
	[sflag:s11] =	ssyncset.done @!p0 $0x0  }
0x45: {  	s10 =	simm.s32 @!p0 $0x6000;
	[sflag:s11] =	ssyncadd.s32 @!p0 $0xFFFFE000;
	s11 =	simm.s32 @!p0 $0x8  }
0x46: {  	[tilespmem:s10], [sflag:$0x3] =	stream.indirect.gather @!p0 [hbm4b:s4+s13], $0x80, s9, s13, $0xb8;
	[tilespmem:$0x1E000] =	vst v63  }
0x47: {  	_ =	swait.ge @!p0 [sflag:s11], $0x2000  }
0x48: {  	[sflag:s11] =	ssyncset.done @!p0 $0x0  }
0x49: {  	s9 =	simm.s32 @!p0 $0x180;
	s10 =	simm.s32 @!p0 $0x8000;
	[sflag:s11] =	ssyncadd.s32 @!p0 $0xFFFFE000  }
0x4a: {  	[tilespmem:s10], [sflag:$0x4] =	stream.indirect.gather @!p0 [hbm4b:s4+s13], $0x80, s9, s13, $0xb8;
	[tilespmem:$0x1E000] =	vst v63  }
0x4b: {  	s7 =	simm.s32 @p0 $0x0;
	_ =	swait.ge [sflag:s28], $0x2000  }
0x4c: {  	s8 =	sshra.s32 s7, $0x2;
	[sflag:s28] =	ssyncset.done $0x0  }
0x4d: {  	s7 =	sadd.s32 $0x1000, s8;
	[sflag:s28] =	ssyncadd.s32 $0xFFFFE000  }
0x4e: {  	[spmem:s2] =	stream.indirect.scatter.add.f32 [tilespmem:s19], [sflag:$0x5], $0x80, s7, s18, $0xb8;
	[tilespmem:$0x1E000] =	vst v63  }
0x4f: {  	_ =	swait.ge [sflag:s29], $0x2000  }
0x50: {  	[sflag:s29] =	ssyncset.done $0x0  }
0x51: {  	s11 =	sadd.s32 $0x1080, s8;
	[sflag:s29] =	ssyncadd.s32 $0xFFFFE000  }
0x52: {  	[spmem:s2] =	stream.indirect.scatter.add.f32 [tilespmem:s21], [sflag:$0x6], $0x80, s11, s18, $0xb8;
	[tilespmem:$0x1E000] =	vst v63  }
0x53: {  	_ =	swait.ge [sflag:s30], $0x2000  }
0x54: {  	s13 =	simm.s32 $0x1;
	[sflag:s30] =	ssyncset.done $0x0  }
0x55: {  	s14 =	sadd.s32 $0x1100, s8;
	s26 =	sor.u32 s24, s13;
	[sflag:s30] =	ssyncadd.s32 $0xFFFFE000  }
0x56: {  	[spmem:s2] =	stream.indirect.scatter.add.f32 [tilespmem:s23], [sflag:$0x7], $0x80, s14, s18, $0xb8;
	[tilespmem:$0x1E000] =	vst v63  }
0x57: {  	s9 =	simm.s32 $0x2;
	p0 =	seq.s32 s26, $0x0;
	_ =	swait.ge [sflag:s31], $0x2000  }
0x58: {  	s11 =	sadd.s32 $0x1180, s8;
	s14 =	simm.s32 $0x800;
	[sflag:s31] =	ssyncset.done $0x0  }
.LBB2_3:
0x59: {  	s13 =	simm.s32 @!p0 $0x5;
	s7 =	smov.u32 s14  }
0x5a: {  	[sflag:s31] =	ssyncadd.s32 $0xFFFFE000;
	s10 =	smov.u32 s9;
	s7 =	simm.s32 @p0 $0x0  }
0x5b: {  	[spmem:s2] =	stream.indirect.scatter.add.f32 [tilespmem:s25], [sflag:$0x8], $0x80, s11, s18, $0xb8;
	[tilespmem:$0x1E000] =	vst v63  }
0x5c: {  	s9 =	sadd.s32 $0x1, s9;
	s11 =	sshra.s32 s7, $0x2;
	_ =	swait.ge @!p0 [sflag:s13], $0x2000  }
0x5d: {  	s8 =	simm.s32 @!p0 $0x6;
	s7 =	simm.s32 @!p0 $0x2000;
	[sflag:s13] =	ssyncset.done @!p0 $0x0  }
0x5e: {  	s3 =	simm.s32 @!p0 $0x40;
	[sflag:s13] =	ssyncadd.s32 @!p0 $0xFFFFE000;
	s13 =	sshra.s32 @!p0 s14, $0x2  }
0x5f: {  	[tilespmem:s7], [sflag:$0x1] =	stream.indirect.gather @!p0 [hbm4b:s4+s3], $0x80, s13, s3, $0xb8;
	[tilespmem:$0x1E000] =	vst v63  }
0x60: {  	s7 =	sadd.s32 @!p0 $0x80, s13;
	s26 =	sadd.s32 @!p0 $0x100, s13;
	_ =	swait.ge @!p0 [sflag:s8], $0x2000  }
0x61: {  	p1 =	sne.s32 s9, $0x8;
	s13 =	sadd.s32 @!p0 $0x180, s13;
	[sflag:s8] =	ssyncset.done @!p0 $0x0  }
0x62: {  	s0 =	simm.s32 @!p0 $0x7;
	[sflag:s8] =	ssyncadd.s32 @!p0 $0xFFFFE000;
	s8 =	simm.s32 @!p0 $0x4000  }
0x63: {  	[tilespmem:s8], [sflag:$0x2] =	stream.indirect.gather @!p0 [hbm4b:s4+s3], $0x80, s7, s3, $0xb8;
	[tilespmem:$0x1E000] =	vst v63  }
0x64: {  	_ =	swait.ge @!p0 [sflag:s0], $0x2000  }
0x65: {  	[sflag:s0] =	ssyncset.done @!p0 $0x0  }
0x66: {  	s7 =	simm.s32 @!p0 $0x8;
	[sflag:s0] =	ssyncadd.s32 @!p0 $0xFFFFE000;
	s0 =	simm.s32 @!p0 $0x6000  }
0x67: {  	[tilespmem:s0], [sflag:$0x3] =	stream.indirect.gather @!p0 [hbm4b:s4+s3], $0x80, s26, s3, $0xb8;
	[tilespmem:$0x1E000] =	vst v63  }
0x68: {  	_ =	swait.ge @!p0 [sflag:s7], $0x2000  }
0x69: {  	[sflag:s7] =	ssyncset.done @!p0 $0x0  }
0x6a: {  	s0 =	simm.s32 @!p0 $0x8000;
	[sflag:s7] =	ssyncadd.s32 @!p0 $0xFFFFE000  }
0x6b: {  	[tilespmem:s0], [sflag:$0x4] =	stream.indirect.gather @!p0 [hbm4b:s4+s3], $0x80, s13, s3, $0xb8;
	[tilespmem:$0x1E000] =	vst v63  }
0x6c: {  	_ =	swait.ge [sflag:s28], $0x2000  }
0x6d: {  	[sflag:s28] =	ssyncset.done $0x0  }
0x6e: {  	s0 =	sadd.s32 $0x1000, s11;
	[sflag:s28] =	ssyncadd.s32 $0xFFFFE000  }
0x6f: {  	[spmem:s2] =	stream.indirect.scatter.add.f32 [tilespmem:s19], [sflag:$0x5], $0x80, s0, s18, $0xb8;
	[tilespmem:$0x1E000] =	vst v63  }
0x70: {  	_ =	swait.ge [sflag:s29], $0x2000  }
0x71: {  	[sflag:s29] =	ssyncset.done $0x0  }
0x72: {  	s0 =	sadd.s32 $0x1080, s11;
	[sflag:s29] =	ssyncadd.s32 $0xFFFFE000  }
0x73: {  	[spmem:s2] =	stream.indirect.scatter.add.f32 [tilespmem:s21], [sflag:$0x6], $0x80, s0, s18, $0xb8;
	[tilespmem:$0x1E000] =	vst v63  }
0x74: {  	_ =	swait.ge [sflag:s30], $0x2000  }
.Ltmp0:
0x75: {  	[sflag:s30] =	ssyncset.done $0x0;
	(pc) =	sbr.rel @p1 .LBB2_3-.Ltmp0, $4  }
0x76: {  	s0 =	sadd.s32 $0x1100, s11;
	[sflag:s30] =	ssyncadd.s32 $0xFFFFE000  }
0x77: {  	[spmem:s2] =	stream.indirect.scatter.add.f32 [tilespmem:s23], [sflag:$0x7], $0x80, s0, s18, $0xb8;
	[tilespmem:$0x1E000] =	vst v63  }
0x78: {  	s14 =	sadd.s32 $0x800, s14;
	s0 =	sor.u32 s24, s10;
	_ =	swait.ge [sflag:s31], $0x2000  }
0x79: {  	s11 =	sadd.s32 $0x1180, s11;
	p0 =	seq.s32 s0, $0x0;
	[sflag:s31] =	ssyncset.done $0x0  }
0x7a: {  	s0 =	simm.s32 @!p0 $0x5;
	[sflag:s31] =	ssyncadd.s32 $0xFFFFE000  }
0x7b: {  	[spmem:s2] =	stream.indirect.scatter.add.f32 [tilespmem:s25], [sflag:$0x8], $0x80, s11, s18, $0xb8;
	[tilespmem:$0x1E000] =	vst v63  }
0x7c: {  	_ =	swait.ge @!p0 [sflag:s0], $0x2000  }
0x7d: {  	s3 =	simm.s32 @!p0 $0x2000;
	s7 =	simm.s32 @!p0 $0x6;
	[sflag:s0] =	ssyncset.done @!p0 $0x0  }
0x7e: {  	s8 =	simm.s32 @!p0 $0x40;
	[sflag:s0] =	ssyncadd.s32 @!p0 $0xFFFFE000;
	s0 =	sshra.s32 @!p0 s14, $0x2  }
0x7f: {  	[tilespmem:s3], [sflag:$0x1] =	stream.indirect.gather @!p0 [hbm4b:s4+s8], $0x80, s0, s8, $0xb8;
	[tilespmem:$0x1E000] =	vst v63  }
0x80: {  	_ =	swait.ge @!p0 [sflag:s7], $0x2000  }
0x81: {  	s9 =	simm.s32 @!p0 $0x7;
	[sflag:s7] =	ssyncset.done @!p0 $0x0  }
0x82: {  	s3 =	sadd.s32 @!p0 $0x80, s0;
	[sflag:s7] =	ssyncadd.s32 @!p0 $0xFFFFE000;
	s7 =	simm.s32 @!p0 $0x4000  }
0x83: {  	[tilespmem:s7], [sflag:$0x2] =	stream.indirect.gather @!p0 [hbm4b:s4+s8], $0x80, s3, s8, $0xb8;
	[tilespmem:$0x1E000] =	vst v63  }
0x84: {  	_ =	swait.ge @!p0 [sflag:s9], $0x2000  }
0x85: {  	s3 =	sadd.s32 @!p0 $0x100, s0;
	[sflag:s9] =	ssyncset.done @!p0 $0x0  }
0x86: {  	s7 =	simm.s32 @!p0 $0x6000;
	[sflag:s9] =	ssyncadd.s32 @!p0 $0xFFFFE000;
	s9 =	simm.s32 @!p0 $0x8  }
0x87: {  	[tilespmem:s7], [sflag:$0x3] =	stream.indirect.gather @!p0 [hbm4b:s4+s8], $0x80, s3, s8, $0xb8;
	[tilespmem:$0x1E000] =	vst v63  }
0x88: {  	_ =	swait.ge @!p0 [sflag:s9], $0x2000  }
0x89: {  	[sflag:s9] =	ssyncset.done @!p0 $0x0  }
0x8a: {  	s0 =	sadd.s32 @!p0 $0x180, s0;
	s3 =	simm.s32 @!p0 $0x8000;
	[sflag:s9] =	ssyncadd.s32 @!p0 $0xFFFFE000  }
0x8b: {  	[tilespmem:s3], [sflag:$0x4] =	stream.indirect.gather @!p0 [hbm4b:s4+s8], $0x80, s0, s8, $0xb8;
	[tilespmem:$0x1E000] =	vst v63  }
0x8c: {  	s14 =	simm.s32 @p0 $0x0;
	_ =	swait.ge [sflag:s28], $0x2000  }
0x8d: {  	s11 =	sshra.s32 s14, $0x2;
	[sflag:s28] =	ssyncset.done $0x0  }
0x8e: {  	s13 =	sadd.s32 $0x1000, s11;
	[sflag:s28] =	ssyncadd.s32 $0xFFFFE000  }
0x8f: {  	[spmem:s2] =	stream.indirect.scatter.add.f32 [tilespmem:s19], [sflag:$0x5], $0x80, s13, s18, $0xb8;
	[tilespmem:$0x1E000] =	vst v63  }
0x90: {  	_ =	swait.ge [sflag:s29], $0x2000  }
0x91: {  	[sflag:s29] =	ssyncset.done $0x0  }
0x92: {  	s14 =	sadd.s32 $0x1080, s11;
	[sflag:s29] =	ssyncadd.s32 $0xFFFFE000  }
0x93: {  	[spmem:s2] =	stream.indirect.scatter.add.f32 [tilespmem:s21], [sflag:$0x6], $0x80, s14, s18, $0xb8;
	[tilespmem:$0x1E000] =	vst v63  }
0x94: {  	_ =	swait.ge [sflag:s30], $0x2000  }
0x95: {  	s24 =	sadd.s32 $0x1, s24;
	[sflag:s30] =	ssyncset.done $0x0  }
0x96: {  	s26 =	sadd.s32 $0x1100, s11;
	p0 =	sne.s32 s24, $0x5;
	[sflag:s30] =	ssyncadd.s32 $0xFFFFE000  }
0x97: {  	[spmem:s2] =	stream.indirect.scatter.add.f32 [tilespmem:s23], [sflag:$0x7], $0x80, s26, s18, $0xb8;
	[tilespmem:$0x1E000] =	vst v63  }
.Ltmp1:
0x98: {  	_ = 	snop;
	(pc) =	sbr.rel @p0 .LBB2_2-.Ltmp1, $4  }
0x99: {  	_ =	swait.ge [sflag:s31], $0x2000  }
0x9a: {  	[sflag:s31] =	ssyncset.done $0x0  }
0x9b: {  	s0 =	sadd.s32 $0x1180, s11;
	[sflag:s31] =	ssyncadd.s32 $0xFFFFE000  }
0x9c: {  	[spmem:s2] =	stream.indirect.scatter.add.f32 [tilespmem:s25], [sflag:$0x8], $0x80, s0, s18, $0xb8;
	[tilespmem:$0x1E000] =	vst v63  }
0x9d: {  	s0 =	simm.s32 $0x5  }
0x9e: {  	_ =	swait.ge [sflag:s0], $0x2000  }
0x9f: {  	[sflag:s0] =	ssyncset.done $0x0  }
0xa0: {  	[sflag:s0] =	ssyncadd.s32 $0xFFFFE000  }
0xa1: {  	_ =	swait.ge [sflag:s1], $0x2000  }
0xa2: {  	[sflag:s1] =	ssyncset.done $0x0  }
0xa3: {  	[sflag:s1] =	ssyncadd.s32 $0xFFFFE000  }
0xa4: {  	_ =	swait.ge [sflag:s17], $0x2000  }
0xa5: {  	[sflag:s17] =	ssyncset.done $0x0  }
0xa6: {  	[sflag:s17] =	ssyncadd.s32 $0xFFFFE000  }
0xa7: {  	_ =	swait.ge [sflag:s20], $0x2000  }
0xa8: {  	[sflag:s20] =	ssyncset.done $0x0  }
0xa9: {  	[sflag:s20] =	ssyncadd.s32 $0xFFFFE000  }
0xaa: {  	[bflag:$0x0] =	sbarrier.arrive $0xFFFF  }
0xab: {  	s24 =	rddreg [dreg:$0x4]  }
0xac: {  	s3 =	rddreg [dreg:$0x8];
	s0 =	sor.u32 $0x1C0A, s24  }
0xad: {  	[hbm:s3], [sflag:s0] =	dma.local [spmem:s15], $0x2800  }
0xae: {  	_ =	swait.ge [sflag:s16], $0x2800  }
0xaf: {  	s22 =	sadd.s32 $0x1, s22;
	s26 =	rddreg [dreg:$0x9]  }
0xb0: {  	p0 =	sne.s32 s22, s26  }
.Ltmp2:
0xb1: {  	_ = 	snop;
	(pc) =	sbr.rel @p0 .LBB2_1-.Ltmp2, $3  }
0xb2: {  	_ =	sdelay $0x1  }
0xb3: {  	[sflag:s16] =	ssyncset.done $0x0  }
0xb4: {  	[sflag:s16] =	ssyncadd.s32 $0xFFFFD800  }
0xb5: {  	_ =	sfence.sel $0x180000  }
0xb6: {  	[bflag:$0x0] =	sbarrier.arrive $0xFFFF  }
0xb7: {  	_ =	strace $0x9000004D  }
0xb8: {  	s0 =	stileid.u32;
	[bflag:$0x2] =	sbarrier.arrive $0xFFFF  }
0xb9: {  	p0 =	sne.s32 s0, $0x0;
	s0 =	rddreg [dreg:$0x2]  }
0xba: {  	s0 =	sadd.s32 @!p0 $0x100000, s0  }
0xbb: {  	[sflag:s0] =	ssyncadd.tile.s32 @!p0 $0x1;
	_ =	shalt  }
.Lfunc_end2:
_tile_overlayer_lowered:
.L_overlay_start_2:
0xbc: {  	(tag) =	ssettag $0x2  }
0xbd: {  	s0 =	rddreg [dreg:$0x0];
	s2 =	stileid.u32  }
0xbe: {  	s1 =	rddreg [dreg:$0x1];
	p0 =	sne.s32 s2, $0x0  }
0xbf: {  	s3 =	rddreg [dreg:$0x2];
	[bflag:$0x3] =	sbarrier.arrive $0xFFFF;
	s2 =	simm.s32 @!p0 $0x1C0A  }
0xc0: {  	[timem:s3], [sflag:s2] =	dma.local @!p0 [hbm:s0], s1  }
0xc1: {  	s0 =	simm.s32 @!p0 $0xA  }
0xc2: {  	_ =	swait.ge @!p0 [sflag:s0], s1  }
0xc3: {  	s1 =	ssub.s32 @!p0 $0x0, s1;
	[sflag:s0] =	ssyncset.done @!p0 $0x0  }
0xc4: {  	[sflag:s0] =	ssyncadd.s32 @!p0 s1  }
0xc5: {  	[bflag:$0x3] =	sbarrier.arrive $0xFFFF  }
0xc6: {  	_ =	shalt  }

// kernel: kernel.8.cloned.1.call-start
scs
__scs_entry_jumppad:
0x0: {  	(pc) =	sbr.rel $0x88, $3  }
0x1: {  	(tag) =	ssettag $0x0;
	lr =	simm.s32 $0x1  }
0x2: {  	[smem:$0x3F98] =	sst lr;
	_ =	strace $0xD0000000  }
0x3: {  	_ = 	snop  }
0x4: {  	_ = 	snop  }
0x5: {  	_ = 	snop  }
0x6: {  	_ = 	snop  }
0x7: {  	_ = 	snop  }
__scs_overlays_trampoline_lowered:
0x8: {  	[smem:$0x3FA7] =	sst s0  }
0x9: {  	[smem:$0x3FA8] =	sst s1  }
0xa: {  	[smem:$0x3FA9] =	sst s2  }
0xb: {  	[smem:$0x3FAA] =	sst s3  }
0xc: {  	[smem:$0x3FAB] =	sst s4  }
0xd: {  	[smem:$0x3FAC] =	sst s5  }
0xe: {  	[smem:$0x3FAD] =	sst s6  }
0xf: {  	[smem:$0x3FAE] =	sst s7  }
0x10: {  	[smem:$0x3FAF] =	sst s8  }
0x11: {  	[smem:$0x3FB0] =	sst s9;
	s0 =	simm.s32 @!p0 $0x0  }
0x12: {  	s1 =	sld [smem:$0x3F96];
	s0 =	simm.s32 @p0 $0x1  }
0x13: {  	[smem:$0x3FB1] =	sst s0;
	s0 =	simm.s32 @!p1 $0x0  }
0x14: {  	s2 =	sld [smem:$0x3F95];
	s0 =	simm.s32 @p1 $0x1  }
0x15: {  	[smem:$0x3FB2] =	sst s0;
	s0 =	simm.s32 @!p2 $0x0  }
0x16: {  	s3 =	sld [smem:$0x3FDB];
	s0 =	simm.s32 @p2 $0x1  }
0x17: {  	s4 =	simm.s32 $0x1BF5;
	[smem:$0x3FB4] =	sst s0  }
0x18: {  	s0 =	sld [smem:$0x3F97];
	_ =	swait.ge [sflag:s4], $0x0  }
0x19: {  	s7 =	sld [smem:$0x3F98]  }
0x1a: {  	s8 =	sadd.s32 $0xFFFFE003, lr  }
0x1b: {  	s9 =	sadd.s32 $0xFFFFFEF7, lr;
	s5 =	simm.s32 $0xFFFFFFFF;
	p2 =	slt.u32 s8, $0xFFFFF086  }
0x1c: {  	p1 =	slt.u32 s9, $0xF7A;
	s5 =	simm.s32 @!p2 $0x0  }
0x1d: {  	s5 =	simm.s32 @p1 $0x1;
	p0 =	seq.s32 s7, s2  }
0x1e: {  	s7 =	smul.u32 @!p0 $0xF7A, s2;
	p2 =	seq.s32 @!p0 s5, $0x0  }
0x1f: {  	s9 =	smul.u32 $0xF7A, s1;
	s8 =	simm.s32 @!p0 $0x1BF5;
	p2 =	por !p2, p0  }
0x20: {  	[sflag:s8] =	ssyncset.s32 @!p0 $0xFFFFF086;
	s6 =	sadd.s32 @!p0 s3, s7;
	s7 =	simm.s32 @!p0 $0x108  }
0x21: {  	s3 =	sadd.s32 s3, s9;
	s6 =	sadd.s32 @!p0 $0x88, s6;
	s7 =	simm.s32 @p2 $0x1082  }
0x22: {  	[simem:s7], [sflag:s8] =	dma.local @!p0 [hbm:s6], $0xF7A  }
0x23: {  	s9 =	sor.u32 $0xD0000000, s2;
	s6 =	simm.s32 $0x108;
	_ =	swait.ge @!p0 [sflag:s8], $0x0  }
0x24: {  	s3 =	sadd.s32 $0x88, s3;
	s6 =	simm.s32 @!p1 $0x1082;
	[sflag:s4] =	ssyncset.s32 $0xFFFFF086  }
0x25: {  	[simem:s6], [sflag:s4] =	dma.local [hbm:s3], $0xF7A  }
0x26: {  	[smem:$0x3F98] =	sst s1;
	(tag) =	ssettag s2;
	_ =	strace s9  }
0x27: {  	s1 =	sld [smem:$0x3FA8]  }
0x28: {  	s2 =	sld [smem:$0x3FA9]  }
0x29: {  	s4 =	sld [smem:$0x3FAB]  }
0x2a: {  	p0 =	seq.s32 s5, $0x0;
	s5 =	sld [smem:$0x3FAC]  }
0x2b: {  	s6 =	sld [smem:$0x3FAD]  }
0x2c: {  	s7 =	sld [smem:$0x3FAE]  }
0x2d: {  	s3 =	simm.s32 $0x108;
	s8 =	sld [smem:$0x3FAF]  }
0x2e: {  	s3 =	simm.s32 @!p0 $0x1082;
	s9 =	sld [smem:$0x3FB0]  }
0x2f: {  	lr =	sadd.s32 s0, s3;
	s0 =	sld [smem:$0x3FA7]  }
0x30: {  	s3 =	sld [smem:$0x3FAA]  }
0x31: {  	[smem:$0x3FB3] =	sst s10  }
0x32: {  	s10 =	sld [smem:$0x3FB1];
	_ =	sdelay $0x3  }
0x33: {  	p0 =	seq.s32 s10, $0x1;
	s10 =	sld [smem:$0x3FB3];
	_ =	sdelay $0x3  }
0x34: {  	[smem:$0x3FB3] =	sst s10  }
0x35: {  	s10 =	sld [smem:$0x3FB2];
	_ =	sdelay $0x3  }
0x36: {  	p1 =	seq.s32 s10, $0x1;
	s10 =	sld [smem:$0x3FB3];
	_ =	sdelay $0x3  }
0x37: {  	[smem:$0x3FB3] =	sst s10  }
0x38: {  	s10 =	sld [smem:$0x3FB4]  }
0x39: {  	_ = 	snop;
	(pc) =	sbr.ind lr, $3  }
0x3a: {  	_ = 	snop  }
0x3b: {  	_ = 	snop  }
0x3c: {  	p2 =	seq.s32 s10, $0x1;
	s10 =	sld [smem:$0x3FB3]  }
0x3d: {  	_ =	shalt  }
0x3e: {  	_ =	shalt  }
0x3f: {  	_ =	shalt  }
0x40: {  	_ =	shalt  }
0x41: {  	_ =	shalt  }
0x42: {  	_ =	shalt  }
0x43: {  	_ =	shalt  }
0x44: {  	_ =	shalt  }
0x45: {  	_ =	shalt  }
0x46: {  	_ =	shalt  }
0x47: {  	_ =	shalt  }
0x48: {  	_ =	shalt  }
0x49: {  	_ =	shalt  }
0x4a: {  	_ =	shalt  }
0x4b: {  	_ =	shalt  }
0x4c: {  	_ =	shalt  }
0x4d: {  	_ =	shalt  }
0x4e: {  	_ =	shalt  }
0x4f: {  	_ =	shalt  }
0x50: {  	_ =	shalt  }
0x51: {  	_ =	shalt  }
0x52: {  	_ =	shalt  }
0x53: {  	_ =	shalt  }
0x54: {  	_ =	shalt  }
0x55: {  	_ =	shalt  }
0x56: {  	_ =	shalt  }
0x57: {  	_ =	shalt  }
0x58: {  	_ =	shalt  }
0x59: {  	_ =	shalt  }
0x5a: {  	_ =	shalt  }
0x5b: {  	_ =	shalt  }
0x5c: {  	_ =	shalt  }
0x5d: {  	_ =	shalt  }
0x5e: {  	_ =	shalt  }
0x5f: {  	_ =	shalt  }
0x60: {  	_ =	shalt  }
0x61: {  	_ =	shalt  }
0x62: {  	_ =	shalt  }
0x63: {  	_ =	shalt  }
0x64: {  	_ =	shalt  }
0x65: {  	_ =	shalt  }
0x66: {  	_ =	shalt  }
0x67: {  	_ =	shalt  }
0x68: {  	_ =	shalt  }
0x69: {  	_ =	shalt  }
0x6a: {  	_ =	shalt  }
0x6b: {  	_ =	shalt  }
0x6c: {  	_ =	shalt  }
0x6d: {  	_ =	shalt  }
0x6e: {  	_ =	shalt  }
0x6f: {  	_ =	shalt  }
0x70: {  	_ =	shalt  }
0x71: {  	_ =	shalt  }
0x72: {  	_ =	shalt  }
0x73: {  	_ =	shalt  }
0x74: {  	_ =	shalt  }
0x75: {  	_ =	shalt  }
0x76: {  	_ =	shalt  }
0x77: {  	_ =	shalt  }
0x78: {  	_ =	shalt  }
0x79: {  	_ =	shalt  }
0x7a: {  	_ =	shalt  }
0x7b: {  	_ =	shalt  }
0x7c: {  	_ =	shalt  }
0x7d: {  	_ =	shalt  }
0x7e: {  	_ =	shalt  }
0x7f: {  	_ =	shalt  }
0x80: {  	_ =	shalt  }
0x81: {  	_ =	shalt  }
0x82: {  	_ =	shalt  }
0x83: {  	_ =	shalt  }
0x84: {  	_ =	shalt  }
0x85: {  	_ =	shalt  }
0x86: {  	_ =	shalt  }
0x87: {  	_ =	shalt  }
.Lfunc_end0:
.L_simem_size_0:
called_computation_lowered:
.L_overlay_start_0:
0x88: {  	s2 =	sld [smem:$0x3FD9]  }
0x89: {  	s3 =	sld [smem:$0x3FFE];
	_ =	sdelay $0x1  }
0x8a: {  	s1 =	srdreg.scid  }
0x8b: {  	s0 =	sand.u32 $0x1, s1  }
0x8c: {  	s16 =	sshll.u32 s0, $0xA;
	s2 =	sadd.s32 s3, s2  }
0x8d: {  	s2 =	sadd.s32 s2, s16  }
0x8e: {  	[smem:$0x3FBF] =	sst s2  }
0x8f: {  	_ = 	snop  }
0x90: {  	(tm) =	ssettm $0x1  }
0x91: {  	s17 =	sld [smem:$0x3FFB];
	_ =	sdelay $0x3  }
0x92: {  	_ =	strace s17  }
0x93: {  	s2 =	sld [smem:$0x3FFC];
	_ =	sdelay $0x3  }
0x94: {  	_ =	strace s2  }
0x95: {  	s2 =	sld [smem:$0x3FFD];
	_ =	sdelay $0x3  }
0x96: {  	_ =	strace s2  }
0x97: {  	_ =	strace $0x8FFFFFFF  }
0x98: {  	s18 =	sld [smem:$0x3FDB];
	_ =	sdelay $0x1  }
0x99: {  	s19 =	simm.s32 $_scs_section_size  }
0x9a: {  	s4 =	simm.s32 $_size__tile_overlayer_lowered;
	s5 =	simm.s32 $_tile_overlayer_lowered  }
0x9b: {  	s22 =	simm.s32 $0x1BFF;
	s21 =	sshll.u32 s5, $0x1;
	s2 =	sadd.s32 s19, s18  }
0x9c: {  	s6 =	simm.s32 $0x0;
	s20 =	sshll.u32 s4, $0x1;
	s4 =	sadd.s32 s21, s2  }
0x9d: {  	[timem:s6], [sflag:s22] =	dma.local [hbm:s4], s20  }
0x9e: {  	_ =	swait.ge [sflag:s22], s20  }
0x9f: {  	s3 =	ssub.s32 $0x0, s20;
	[sflag:s22] =	ssyncset.done $0x0  }
0xa0: {  	[sflag:s22] =	ssyncadd.s32 s3;
	_ =	sdelay $0x1  }
0xa1: {  	s23 =	simm.s32 $0x1B8B  }
0xa2: {  	_ =	swait.ge [sflag:s23], $0x1  }
0xa3: {  	[sflag:s23] =	ssyncset.done $0x0  }
0xa4: {  	s25 =	simm.s32 $0x1B8E;
	s24 =	sld [smem:$0x3FFE];
	[sflag:s23] =	ssyncadd.s32 $0xFFFFFFFF  }
0xa5: {  	s26 =	simm.s32 $execute0_lowered;
	[smem:$0x3FD2] =	sst s25  }
0xa6: {  	s4 =	sshll.u32 s26, $0x1;
	_ =	strace $0x80000046;
	[dreg:$0x1] =	wrdreg $0xFFFFFFFF  }
0xa7: {  	s28 =	simm.s32 $_size_execute0_lowered;
	s2 =	sadd.s32 s2, s4;
	[dreg:$0x0] =	wrdreg $0x0  }
0xa8: {  	s4 =	sshll.u32 s28, $0x1;
	[dreg:$0x2] =	wrdreg s2  }
0xa9: {  	[dreg:$0x3] =	wrdreg s4  }
0xaa: {  	[dreg:$0x4] =	wrdreg $0xC0  }
0xab: {  	_ =	task [dreg:s6], $0x5FFFF  }
0xac: {  	[dreg:$0x1] =	wrdreg $0xFFFFFFFF  }
0xad: {  	[dreg:$0x0] =	wrdreg $0x60  }
0xae: {  	[dreg:$0x2] =	wrdreg s24  }
0xaf: {  	[dreg:$0x3] =	wrdreg $0x2B000  }
0xb0: {  	[dreg:$0x4] =	wrdreg $0x9  }
0xb1: {  	_ =	task.clear_ibuf [dreg:s6], $0x5FFFF;
	_ =	strace $0x90000046  }
0xb2: {  	s29 =	simm.s32 $0x9;
	_ =	strace $0x80000048  }
0xb3: {  	_ =	swait.ge [sflag:s29], $0x1  }
0xb4: {  	[sflag:s29] =	ssyncadd.s32 $0xFFFFFFFF  }
0xb5: {  	_ =	strace $0x90000048  }
0xb6: {  	_ =	sfence  }
0xb7: {  	s30 =	sld [smem:$0x0];
	_ =	sdelay $0x2  }
0xb8: {  	s31 =	sshll.u32 s1, $0xD;
	s1 =	sshrl.u32 s1, $0x2  }
0xb9: {  	s3 =	sand.u32 $0x4000, s31;
	s1 =	sadd.s32 s1, s30  }
0xba: {  	s0 =	sor.u32 s3, s0;
	s1 =	sshll.u32 s1, $0x11  }
0xbb: {  	s0 =	sor.u32 s1, s0  }
0xbc: {  	s0 =	sadd.s32 $0x8F2B, s0  }
0xbd: {  	[sflag:s0] =	ssyncadd.remote.s32 $0x1  }
0xbe: {  	_ =	sfence.sel $0xFFFF  }
0xbf: {  	[dreg:$0x0] =	wrdreg $0xFFFFFFFF;
	(pc) =	sbr.abs _section_cstart, $3  }
0xc0: {  	[dreg:$0x1] =	wrdreg $0xFFFFFFFF  }
0xc1: {  	_ =	task.clear_ibuf [dreg:s6], $0x2FFFF;
	_ =	strace $0x9FFFFFFF  }
0xc2: {  	(tm) =	ssettm $0x7FFFFFFF  }
0xc3: {  	_ =	shalt  }
tec
execute0_lowered:
.L_overlay_start_1:
0x0: {  	(tag) =	ssettag $0x1  }
0x1: {  	s4 =	rddreg [dreg:$0x0];
	s0 =	srdreg.scid  }
0x2: {  	s2 =	rddreg [dreg:$0x1];
	s1 =	stileid.u32  }
0x3: {  	s3 =	simm.s32 $0x0;
	s10 =	simm.s32 $0x80;
	s11 =	simm.s32 $0x2800  }
0x4: {  	s12 =	simm.s32 $0x1;
	s5 =	sand.u32 $0x1, s0;
	s0 =	rddreg [dreg:$0x2]  }
0x5: {  	s15 =	simm.s32 $0x0;
	s7 =	smul.u32 $0x280, s1;
	[smem:$0x7FF] =	sst s3  }
0x6: {  	s13 =	sshll.u32 s1, $0x6;
	s6 =	sshll.u32 s5, $0x4;
	s8 =	smul.u32 $0x2800, s5  }
0x7: {  	_ =	strace $0x80000047;
	s5 =	ssub.s32 $0x2, s5;
	s6 =	sor.u32 s1, s6  }
0x8: {  	s9 =	sshrl.u32 s5, $0x1;
	s6 =	smul.u32 $0x500, s6;
	s8 =	sadd.s32 s7, s8  }
0x9: {  	s13 =	sor.u32 $0x1C02, s13;
	s9 =	ssub.s32 s5, s9;
	s8 =	sshrl.u32 s8, $0x3  }
0xa: {  	s6 =	sadd.s32 s6, s4;
	s8 =	sadd.s32 s8, s4;
	s4 =	sadd.s32 s7, s2  }
0xb: {  	s7 =	smax.u32 s9, $0x1;
	s9 =	simm.s32 $0x2;
	s5 =	sadd.s32 $0x2E00, s6  }
0xc: {  	v0 =	vimm.f32 $1.000000000e+00;
	v1 =	vimm.f32 $0.0e+00;
	s6 =	sadd.s32 $0xCE00, s8;
	s8 =	simm.s32 $0x2880;
	s14 =	sshrl.u32 s4, $0x3  }
.LBB2_1:
0xd: {  	[tilespmem:$0x2800] =	vst v0  }
0xe: {  	[tilespmem:$0x2810] =	vst v0  }
0xf: {  	[tilespmem:$0x2820] =	vst v0  }
0x10: {  	[tilespmem:$0x2830] =	vst v0  }
0x11: {  	[tilespmem:$0x2840] =	vst v0  }
0x12: {  	[tilespmem:$0x2850] =	vst v0  }
0x13: {  	[tilespmem:$0x2860] =	vst v0  }
0x14: {  	[tilespmem:$0x2870] =	vst v0  }
0x15: {  	[tilespmem:$0x2880] =	vst v1  }
0x16: {  	[tilespmem:$0x2890] =	vst v1  }
0x17: {  	[tilespmem:$0x28A0] =	vst v1  }
0x18: {  	[tilespmem:$0x28B0] =	vst v1  }
0x19: {  	[tilespmem:$0x28C0] =	vst v1  }
0x1a: {  	[tilespmem:$0x28D0] =	vst v1  }
0x1b: {  	[tilespmem:$0x28E0] =	vst v1  }
0x1c: {  	[tilespmem:$0x28F0] =	vst v1  }
0x1d: {  	[tilespmem:$0x2900] =	vst v1  }
0x1e: {  	[tilespmem:$0x2910] =	vst v1  }
0x1f: {  	[tilespmem:$0x2920] =	vst v1  }
0x20: {  	[tilespmem:$0x2930] =	vst v1  }
0x21: {  	[tilespmem:$0x2940] =	vst v1  }
0x22: {  	[tilespmem:$0x2950] =	vst v1  }
0x23: {  	[tilespmem:$0x2960] =	vst v1  }
0x24: {  	[tilespmem:$0x2970] =	vst v1  }
0x25: {  	[tilespmem:$0x2980] =	vst v1  }
0x26: {  	[tilespmem:$0x2990] =	vst v1  }
0x27: {  	[tilespmem:$0x29A0] =	vst v1  }
0x28: {  	[tilespmem:$0x29B0] =	vst v1  }
0x29: {  	[tilespmem:$0x29C0] =	vst v1  }
0x2a: {  	[tilespmem:$0x29D0] =	vst v1  }
0x2b: {  	[tilespmem:$0x29E0] =	vst v1  }
0x2c: {  	[tilespmem:$0x29F0] =	vst v1  }
0x2d: {  	[tilespmem:$0x2A00] =	vst v1  }
0x2e: {  	[tilespmem:$0x2A10] =	vst v1  }
0x2f: {  	[tilespmem:$0x2A20] =	vst v1  }
0x30: {  	[tilespmem:$0x2A30] =	vst v1  }
0x31: {  	[tilespmem:$0x2A40] =	vst v1  }
0x32: {  	[tilespmem:$0x2A50] =	vst v1  }
0x33: {  	[tilespmem:$0x2A60] =	vst v1  }
0x34: {  	[tilespmem:$0x2A70] =	vst v1  }
0x35: {  	[tilespmem:$0x2A80] =	vst v1  }
0x36: {  	[tilespmem:$0x2A90] =	vst v1  }
0x37: {  	[tilespmem:$0x2AA0] =	vst v1  }
0x38: {  	[tilespmem:$0x2AB0] =	vst v1  }
0x39: {  	[tilespmem:$0x2AC0] =	vst v1  }
0x3a: {  	[tilespmem:$0x2AD0] =	vst v1  }
0x3b: {  	[tilespmem:$0x2AE0] =	vst v1  }
0x3c: {  	[tilespmem:$0x2AF0] =	vst v1  }
0x3d: {  	[spmem:s4] =	stream.linear.scatter [tilespmem:s8], [sflag:$0x2], $0x280, $0x38;
	[tilespmem:$0x2D80] =	vst v63  }
0x3e: {  	_ =	swait.ge [sflag:s9], $0x280  }
0x3f: {  	[sflag:s9] =	ssyncset.done $0x0  }
0x40: {  	[sflag:s9] =	ssyncadd.s32 $0xFFFFFD80  }
0x41: {  	[tilespmem:s3], [sflag:$0x2] =	stream.linear.gather [hbm4b:s5+s3], $0x2800, $0x38;
	[tilespmem:$0x2D80] =	vst v63  }
0x42: {  	_ =	swait.ge [sflag:s9], $0x2800  }
0x43: {  	[sflag:s9] =	ssyncset.done $0x0  }
0x44: {  	[sflag:s9] =	ssyncadd.s32 $0xFFFFD800  }
0x45: {  	s16 =	simm.s32 $0x0;
	[bflag:$0x0] =	sbarrier.arrive $0xFFFF  }
.LBB2_2:
0x46: {  	p0 =	sne.s32 s16, $0x9E00  }
.Ltmp0:
0x47: {  	_ = 	snop;
	(pc) =	sbr.rel @p0 .LBB2_2-.Ltmp0, $3  }
0x48: {  	_ =	sdelay $0x1  }
0x49: {  	s17 =	sshra.s32 s16, $0x2;
	s16 =	sadd.s32 $0x200, s16  }
0x4a: {  	[spmem:s2] =	stream.indirect.scatter.add.f32 [tilespmem:s11], [sflag:$0x1], $0x1, s17, s10, $0xb8;
	[tilespmem:$0x2D80] =	vst v63  }
0x4b: {  	_ =	swait.ge [sflag:s12], $0x80  }
0x4c: {  	s16 =	simm.s32 $0x4F;
	[sflag:s12] =	ssyncset.done $0x0  }
.LBB2_4:
0x4d: {  	p0 =	sne.s32 s16, $0x1;
	s16 =	sadd.s32 $0xFFFFFFFF, s16;
	[sflag:s12] =	ssyncadd.s32 $0xFFFFFF80  }
.Ltmp1:
0x4e: {  	(pc) =	sbr.rel @p0 .LBB2_4-.Ltmp1, $3  }
0x4f: {  	_ =	sdelay $0x1  }
0x50: {  	_ =	swait.ge [sflag:s12], $0x80  }
0x51: {  	[sflag:s12] =	ssyncset.done $0x0  }
0x52: {  	s15 =	sadd.s32 $0x1, s15  }
0x53: {  	[sflag:s12] =	ssyncadd.s32 $0xFFFFFF80;
	p0 =	sne.s32 s15, s7  }
.Ltmp2:
0x54: {  	[bflag:$0x0] =	sbarrier.arrive $0xFFFF;
	(pc) =	sbr.rel @p0 .LBB2_1-.Ltmp2, $4  }
0x55: {  	[hbm:s6], [sflag:s13] =	dma.local [spmem:s14], $0x50  }
0x56: {  	_ =	swait.ge [sflag:s9], $0x50  }
0x57: {  	[sflag:s9] =	ssyncset.done $0x0  }
0x58: {  	[sflag:s9] =	ssyncadd.s32 $0xFFFFFFB0  }
0x59: {  	_ =	sfence.sel $0x180000  }
0x5a: {  	[bflag:$0x0] =	sbarrier.arrive $0xFFFF  }
0x5b: {  	p0 =	sne.s32 s1, $0x0;
	_ =	strace $0x90000047  }
0x5c: {  	s0 =	sadd.s32 @!p0 $0x100000, s0;
	[bflag:$0x2] =	sbarrier.arrive $0xFFFF  }
0x5d: {  	[sflag:s0] =	ssyncadd.tile.s32 @!p0 $0x1;
	_ =	shalt  }
.Lfunc_end2:
_tile_overlayer_lowered:
.L_overlay_start_2:
0x5e: {  	(tag) =	ssettag $0x2  }
0x5f: {  	s0 =	rddreg [dreg:$0x0];
	s2 =	stileid.u32  }
0x60: {  	s1 =	rddreg [dreg:$0x1];
	p0 =	sne.s32 s2, $0x0  }
0x61: {  	s3 =	rddreg [dreg:$0x2];
	[bflag:$0x3] =	sbarrier.arrive $0xFFFF;
	s2 =	simm.s32 @!p0 $0x1C02  }
0x62: {  	[timem:s3], [sflag:s2] =	dma.local @!p0 [hbm:s0], s1  }
0x63: {  	s0 =	simm.s32 @!p0 $0x2  }
0x64: {  	_ =	swait.ge @!p0 [sflag:s0], s1  }
0x65: {  	s1 =	ssub.s32 @!p0 $0x0, s1;
	[sflag:s0] =	ssyncset.done @!p0 $0x0  }
0x66: {  	[sflag:s0] =	ssyncadd.s32 @!p0 s1  }
0x67: {  	[bflag:$0x3] =	sbarrier.arrive $0xFFFF  }
0x68: {  	_ =	shalt  }

</sc_bundles>
